<compile_context>
chip_gen: v7x
topology: tpu7x:2x2x1
jax: 0.10.2.dev20260603
libtpu: 0.0.44.dev20260713+nightly
codegen_flags: <defaults>
</compile_context>

<pallas_src>
import functools

import jax
import jax.numpy as jnp
from jax import lax
from jax.experimental import pallas as pl
from jax.experimental.pallas import tpu as pltpu
from jax.experimental.pallas import tpu_sc as plsc

_NR = 5000
_N = 10000
_E = 320000
_D = 128
_NT = 32
_EPT = _E // _NT
_NPAD = 10240
_S = 2 * _NPAD
_EB = _S // _NT
_GCH = 128
_RPAD = 10080
_BLK = 1000
_RBLK = _RPAD // 10

_mesh = plsc.VectorSubcoreMesh(core_axis_name="c", subcore_axis_name="s")
_sc_params = pltpu.CompilerParams(needs_layout_passes=False)


@functools.partial(
    pl.kernel,
    out_type=[
        jax.ShapeDtypeStruct((_NT, _S), jnp.int32),
        jax.ShapeDtypeStruct((_NT, _S), jnp.int32),
    ],
    mesh=_mesh,
    compiler_params=_sc_params,
    scratch_types=[
        pltpu.VMEM((_EPT,), jnp.int32),
        pltpu.VMEM((_EPT,), jnp.int32),
        pltpu.VMEM((_EPT,), jnp.int32),
        pltpu.VMEM((_S,), jnp.int32),
        pltpu.VMEM((_S,), jnp.int32),
    ],
)
def _phase_a(src_h, rel_h, des_h, pk_h, cnt_h,
             src_v, rel_v, des_v, pk_v, cnt_v):
    wid = lax.axis_index("s") * 2 + lax.axis_index("c")
    base = wid * _EPT
    pltpu.sync_copy(src_h.at[pl.ds(base, _EPT)], src_v)
    pltpu.sync_copy(rel_h.at[pl.ds(base, _EPT)], rel_v)
    pltpu.sync_copy(des_h.at[pl.ds(base, _EPT)], des_v)

    zero = jnp.zeros((16,), jnp.int32)

    def init_body(i, _):
        for k in range(8):
            cnt_v[pl.ds((i * 8 + k) * 16, 16)] = zero
        return 0

    lax.fori_loop(0, _S // 128, init_body, 0)

    def body(i, _):
        for k in range(5):
            off = (i * 5 + k) * 16
            sl = pl.ds(off, 16)
            s = src_v[sl]
            r = rel_v[sl]
            d = des_v[sl]
            key = jnp.where(r < _NR, d, d + _NPAD)
            c16, last = plsc.scan_count(key)
            p = (s << 14) | r
            plsc.store_scatter(pk_v, [key], p, mask=last)
            plsc.addupdate_scatter(cnt_v, [key], c16, mask=last)
        return 0

    lax.fori_loop(0, _EPT // 80, body, 0)

    pltpu.sync_copy(pk_v, pk_h.at[wid])
    pltpu.sync_copy(cnt_v, cnt_h.at[wid])


@functools.partial(
    pl.kernel,
    out_type=[
        jax.ShapeDtypeStruct((2, _NPAD, _D), jnp.float32),
        jax.ShapeDtypeStruct((2, _NPAD), jnp.float32),
    ],
    mesh=_mesh,
    compiler_params=_sc_params,
    scratch_types=[
        pltpu.VMEM((_NT, _EB), jnp.int32),
        pltpu.VMEM((_NT, _EB), jnp.int32),
        pltpu.VMEM((_EB,), jnp.int32),
        pltpu.VMEM((_EB,), jnp.int32),
        pltpu.VMEM((_EB,), jnp.float32),
        pltpu.VMEM((_GCH, _D), jnp.float32),
        pltpu.VMEM((_GCH, _D), jnp.float32),
        pltpu.SemaphoreType.DMA,
        pltpu.SemaphoreType.DMA,
    ],
)
def _phase_b(pk_h, cnt_h, node_h, rela_h, u_h, c_h,
             pks, cnts, bsrc, brel, cf, rows_n, rows_r,
             sem1, sem2):
    wid = lax.axis_index("s") * 2 + lax.axis_index("c")
    col0 = wid * _EB
    half = wid // (_NPAD // _EB)
    row0 = col0 - half * _NPAD

    pltpu.sync_copy(pk_h.at[:, pl.ds(col0, _EB)], pks)
    pltpu.sync_copy(cnt_h.at[:, pl.ds(col0, _EB)], cnts)

    def mbody(i, _):
        off = i * 16
        z = jnp.zeros((16,), jnp.int32)
        bp = z
        cs = z
        for t in range(_NT):
            cv = cnts[t, pl.ds(off, 16)]
            bp = jnp.where(cv > 0, pks[t, pl.ds(off, 16)], bp)
            cs = cs + cv
        bsrc[pl.ds(off, 16)] = lax.shift_right_logical(bp, 14)
        brel[pl.ds(off, 16)] = bp & 16383
        cf[pl.ds(off, 16)] = cs.astype(jnp.float32)
        return 0

    lax.fori_loop(0, _EB // 16, mbody, 0)

    pltpu.sync_copy(cf, c_h.at[half, pl.ds(row0, _EB)])

    def gbody(g, _):
        goff = g * _GCH
        cp1 = pltpu.async_copy(
            node_h.at[bsrc.at[pl.ds(goff, _GCH)]], rows_n, sem1)
        cp2 = pltpu.async_copy(
            rela_h.at[brel.at[pl.ds(goff, _GCH)]], rows_r, sem2)
        cp1.wait()
        cp2.wait()

        def abody(j, _):
            for k in range(_D // 16):
                sl = pl.ds(k * 16, 16)
                rows_n[j, sl] = rows_n[j, sl] + rows_r[j, sl]
            return 0

        lax.fori_loop(0, _GCH, abody, 0)
        pltpu.sync_copy(rows_n, u_h.at[half, pl.ds(row0 + goff, _GCH)])
        return 0

    lax.fori_loop(0, _EB // _GCH, gbody, 0)


_DN = (((1,), (1,)), ((), ()))


def _tc1_body(node, r0, rela, wi, wr, base_o, hr_o):
    nb = node[...] + r0[...]
    base_o[...] = lax.dot_general(
        nb, wi[...], _DN, preferred_element_type=jnp.float32)
    hr_o[...] = lax.dot_general(
        rela[...], wr[...], _DN, preferred_element_type=jnp.float32)


def _tc2_body(base, u1, u2, c1, c2, wo, ws, hv_o):
    acc = base[...]
    acc += c1[...] * lax.dot_general(
        u1[0], wo[...], _DN, preferred_element_type=jnp.float32)
    acc += c2[...] * lax.dot_general(
        u2[0], ws[...], _DN, preferred_element_type=jnp.float32)
    hv_o[...] = acc


_NRE = 2 * _NR + 1

_tc1_call = pl.pallas_call(
    _tc1_body,
    grid=(_N // _BLK,),
    in_specs=[
        pl.BlockSpec((_BLK, _D), lambda i: (i, 0)),
        pl.BlockSpec((1, _D), lambda i: (0, 0)),
        pl.BlockSpec((_RBLK, _D), lambda i: (i, 0)),
        pl.BlockSpec((_D, _D), lambda i: (0, 0)),
        pl.BlockSpec((_D, _D), lambda i: (0, 0)),
    ],
    out_specs=[
        pl.BlockSpec((_BLK, _D), lambda i: (i, 0)),
        pl.BlockSpec((_RBLK, _D), lambda i: (i, 0)),
    ],
    out_shape=[
        jax.ShapeDtypeStruct((_N, _D), jnp.float32),
        jax.ShapeDtypeStruct((_NRE, _D), jnp.float32),
    ],
)

_tc2_call = pl.pallas_call(
    _tc2_body,
    grid=(_N // _BLK,),
    in_specs=[
        pl.BlockSpec((_BLK, _D), lambda i: (i, 0)),
        pl.BlockSpec((1, _BLK, _D), lambda i: (0, i, 0)),
        pl.BlockSpec((1, _BLK, _D), lambda i: (1, i, 0)),
        pl.BlockSpec((_BLK, 1), lambda i: (i, 0)),
        pl.BlockSpec((_BLK, 1), lambda i: (i, 0)),
        pl.BlockSpec((_D, _D), lambda i: (0, 0)),
        pl.BlockSpec((_D, _D), lambda i: (0, 0)),
    ],
    out_specs=pl.BlockSpec((_BLK, _D), lambda i: (i, 0)),
    out_shape=jax.ShapeDtypeStruct((_N, _D), jnp.float32),
)


def kernel(node_embed, rela_embed, edges, W_o, W_i, W_s, W_r):
    pk, cnt = _phase_a(edges[:, 0], edges[:, 1], edges[:, 2])
    u, c = _phase_b(pk, cnt, node_embed, rela_embed)

    r0 = rela_embed[_NRE - 1][None, :]
    base, hr = _tc1_call(node_embed, r0, rela_embed, W_i, W_r)
    c1 = c[0, :_N, None]
    c2 = c[1, :_N, None]
    hv = _tc2_call(base, u, u, c1, c2, W_o, W_s)
    return hv, hr

# --- scband reference (transcript-rebuilt; emitter-appended) ---
"""Pipeline reference for scband-comp-gcnlayer-73942156968056 (READ-ONLY COPY).

The authoritative reference and input builder live on the scoring server;
editing this copy changes nothing except your own understanding.
"""

import jax, jax.numpy as jnp
import numpy as np

NUM_RELA = 5000
N_NODES = 10000
N_EDGES = 320000
DIM = 128


def setup_inputs(seed: int = 0) -> dict:
    key = jax.random.key(seed)
    ks = jax.random.split(key, 8)
    inp = {}
    inp["node_embed"] = jax.random.normal(ks[0], (N_NODES, DIM), dtype=jnp.float32)
    inp["rela_embed"] = jax.random.normal(ks[1], (2 * NUM_RELA + 1, DIM), dtype=jnp.float32)
    inp["edges"] = jax.random.randint(ks[2], (N_EDGES, 3), 0, N_NODES, dtype=jnp.int32)
    inp["W_o"] = jax.random.normal(ks[3], (DIM, DIM), dtype=jnp.float32) * 0.05
    inp["W_i"] = jax.random.normal(ks[4], (DIM, DIM), dtype=jnp.float32) * 0.05
    inp["W_s"] = jax.random.normal(ks[5], (DIM, DIM), dtype=jnp.float32) * 0.05
    inp["W_r"] = jax.random.normal(ks[6], (DIM, DIM), dtype=jnp.float32) * 0.05
    return inp


def reference(node_embed, rela_embed, edges, W_o, W_i, W_s, W_r):
    num_rela = NUM_RELA
    N = node_embed.shape[0]
    E = edges.shape[0]

    # self-loop term: W_i(composition(node_embed, rela_embed[2*num_rela], 'add'))
    h_v = (node_embed + rela_embed[num_rela * 2]) @ W_i.T

    def message_pass(mask, W):
        src = edges[:, 0]
        rela = edges[:, 1]
        des = edges[:, 2]
        # route masked-out edges to dummy segment N
        des_m = jnp.where(mask, des, N)
        # index_matrix with last-write-wins == max edge index per destination
        im = jnp.full((N + 1,), -1, dtype=jnp.int32).at[des_m].max(
            jnp.arange(E, dtype=jnp.int32)
        )
        last = jnp.where(mask, im[des], 0)
        # msg[perm[j]] == message of last in-subset edge sharing des[j]
        msg = (node_embed[src[last]] + rela_embed[rela[last]]) @ W.T
        agg = jax.ops.segment_sum(msg, des_m, num_segments=N + 1)
        cnt = jax.ops.segment_sum(mask.astype(jnp.int32), des_m, num_segments=N + 1)
        return agg[:N], cnt[:N]

    mask1 = edges[:, 1] < num_rela
    agg1, cnt1 = message_pass(mask1, W_o)
    h_v = jnp.where((cnt1 > 0)[:, None], h_v + agg1, h_v)

    mask2 = ~mask1
    agg2, cnt2 = message_pass(mask2, W_s)
    h_v = jnp.where((cnt2 > 0)[:, None], h_v + agg2, h_v)

    h_r = rela_embed @ W_r.T
    return (h_v, h_r)

if __name__ == "__main__":
    import jax
    _d = setup_inputs()
    print(jax.jit(kernel)(*tuple(_d.values())))

</pallas_src>

<mosaic_0001>
#map = affine_map<(d0, d1) -> (0)>
#map1 = affine_map<(d0, d1) -> (0, 0)>
module attributes {stable_mosaic.version = 14 : i64} {
  func.func @_phase_a(%arg0: i32, %arg1: i32, %arg2: memref<320000xi32, #tpu.memory_space<hbm>>, %arg3: memref<320000xi32, #tpu.memory_space<hbm>>, %arg4: memref<320000xi32, #tpu.memory_space<hbm>>, %arg5: memref<32x20480xi32, #tpu.memory_space<hbm>>, %arg6: memref<32x20480xi32, #tpu.memory_space<hbm>>, %arg7: memref<10000xi32, #tpu.memory_space<vmem>>, %arg8: memref<10000xi32, #tpu.memory_space<vmem>>, %arg9: memref<10000xi32, #tpu.memory_space<vmem>>, %arg10: memref<20480xi32, #tpu.memory_space<vmem>>, %arg11: memref<20480xi32, #tpu.memory_space<vmem>>) attributes {dimension_semantics = [#tpu.dimension_semantics<core_parallel>, #tpu.dimension_semantics<subcore_parallel>], iteration_bounds = array<i64: 2, 16>, scalar_prefetch = 0 : i64, scratch_operands = 5 : i64, tpu.core_type = #tpu.core_type<sc_vector_subcore>, window_params = [{transform_indices = #map}, {transform_indices = #map}, {transform_indices = #map}, {transform_indices = #map1}, {transform_indices = #map1}]} {
    %mul3A = arith.constant 2 : i32
    %mul3A_0 = arith.muli %arg1, %mul3A : i32
    %add3A = arith.addi %mul3A_0, %arg0 : i32
    %mul3A_1 = arith.constant 10000 : i32
    %mul3A_2 = arith.muli %add3A, %mul3A_1 : i32
    "tpu.region"() ({
      %run_scoped3A = tpu.sem_alloc : memref<!tpu.dma_semaphore, #tpu.memory_space<semaphore_mem>>
      %dma_start3A = tpu.memref_slice %arg2[%mul3A_2] : memref<320000xi32, #tpu.memory_space<hbm>> -> memref<10000xi32, #tpu.memory_space<hbm>>
      %dma_start3A_17 = tpu.memref_slice %arg2[%mul3A_2] : memref<320000xi32, #tpu.memory_space<hbm>> -> memref<10000xi32, #tpu.memory_space<hbm>>
      tpu.enqueue_dma source(%dma_start3A_17 : memref<10000xi32, #tpu.memory_space<hbm>>) target(%arg7 : memref<10000xi32, #tpu.memory_space<vmem>>) target_semaphore(%run_scoped3A : memref<!tpu.dma_semaphore, #tpu.memory_space<semaphore_mem>>)
      %dma_wait3A = tpu.memref_slice %arg2[%mul3A_2] : memref<320000xi32, #tpu.memory_space<hbm>> -> memref<10000xi32, #tpu.memory_space<hbm>>
      %dma_wait3A_18 = tpu.memref_slice %arg2[%mul3A_2] : memref<320000xi32, #tpu.memory_space<hbm>> -> memref<10000xi32, #tpu.memory_space<hbm>>
      tpu.wait_dma2 semaphore(%run_scoped3A : memref<!tpu.dma_semaphore, #tpu.memory_space<semaphore_mem>>) src(%dma_wait3A_18 : memref<10000xi32, #tpu.memory_space<hbm>>) dst(%arg7 : memref<10000xi32, #tpu.memory_space<vmem>>)
      tpu.yield
    }) : () -> ()
    "tpu.region"() ({
      %run_scoped3A = tpu.sem_alloc : memref<!tpu.dma_semaphore, #tpu.memory_space<semaphore_mem>>
      %dma_start3A = tpu.memref_slice %arg3[%mul3A_2] : memref<320000xi32, #tpu.memory_space<hbm>> -> memref<10000xi32, #tpu.memory_space<hbm>>
      %dma_start3A_17 = tpu.memref_slice %arg3[%mul3A_2] : memref<320000xi32, #tpu.memory_space<hbm>> -> memref<10000xi32, #tpu.memory_space<hbm>>
      tpu.enqueue_dma source(%dma_start3A_17 : memref<10000xi32, #tpu.memory_space<hbm>>) target(%arg8 : memref<10000xi32, #tpu.memory_space<vmem>>) target_semaphore(%run_scoped3A : memref<!tpu.dma_semaphore, #tpu.memory_space<semaphore_mem>>)
      %dma_wait3A = tpu.memref_slice %arg3[%mul3A_2] : memref<320000xi32, #tpu.memory_space<hbm>> -> memref<10000xi32, #tpu.memory_space<hbm>>
      %dma_wait3A_18 = tpu.memref_slice %arg3[%mul3A_2] : memref<320000xi32, #tpu.memory_space<hbm>> -> memref<10000xi32, #tpu.memory_space<hbm>>
      tpu.wait_dma2 semaphore(%run_scoped3A : memref<!tpu.dma_semaphore, #tpu.memory_space<semaphore_mem>>) src(%dma_wait3A_18 : memref<10000xi32, #tpu.memory_space<hbm>>) dst(%arg8 : memref<10000xi32, #tpu.memory_space<vmem>>)
      tpu.yield
    }) : () -> ()
    "tpu.region"() ({
      %run_scoped3A = tpu.sem_alloc : memref<!tpu.dma_semaphore, #tpu.memory_space<semaphore_mem>>
      %dma_start3A = tpu.memref_slice %arg4[%mul3A_2] : memref<320000xi32, #tpu.memory_space<hbm>> -> memref<10000xi32, #tpu.memory_space<hbm>>
      %dma_start3A_17 = tpu.memref_slice %arg4[%mul3A_2] : memref<320000xi32, #tpu.memory_space<hbm>> -> memref<10000xi32, #tpu.memory_space<hbm>>
      tpu.enqueue_dma source(%dma_start3A_17 : memref<10000xi32, #tpu.memory_space<hbm>>) target(%arg9 : memref<10000xi32, #tpu.memory_space<vmem>>) target_semaphore(%run_scoped3A : memref<!tpu.dma_semaphore, #tpu.memory_space<semaphore_mem>>)
      %dma_wait3A = tpu.memref_slice %arg4[%mul3A_2] : memref<320000xi32, #tpu.memory_space<hbm>> -> memref<10000xi32, #tpu.memory_space<hbm>>
      %dma_wait3A_18 = tpu.memref_slice %arg4[%mul3A_2] : memref<320000xi32, #tpu.memory_space<hbm>> -> memref<10000xi32, #tpu.memory_space<hbm>>
      tpu.wait_dma2 semaphore(%run_scoped3A : memref<!tpu.dma_semaphore, #tpu.memory_space<semaphore_mem>>) src(%dma_wait3A_18 : memref<10000xi32, #tpu.memory_space<hbm>>) dst(%arg9 : memref<10000xi32, #tpu.memory_space<vmem>>)
      tpu.yield
    }) : () -> ()
    %broadcast_in_dim3A = arith.constant 0 : i32
    %broadcast_in_dim3A_3 = vector.broadcast %broadcast_in_dim3A : i32 to vector<16xi32>
    %scan3A = arith.constant 0 : i32
    %scan3A_4 = arith.constant 0 : i32
    %scan3A_5 = arith.constant 160 : i32
    %scan3A_6 = arith.addi %scan3A_4, %scan3A_5 : i32
    %scan3A_7 = arith.constant 1 : i32
    %scan3A_8 = scf.for %scan3A_17 = %scan3A_4 to %scan3A_6 step %scan3A_7 iter_args(%scan3A_18 = %scan3A) -> (i32)  : i32 {
      %mul3A_19 = arith.constant 8 : i32
      %mul3A_20 = arith.muli %scan3A_17, %mul3A_19 : i32
      %add3A_21 = arith.constant 0 : i32
      %add3A_22 = arith.addi %mul3A_20, %add3A_21 : i32
      %mul3A_23 = arith.constant 16 : i32
      %mul3A_24 = arith.muli %add3A_22, %mul3A_23 : i32
      %swap3A = arith.index_cast %mul3A_24 : i32 to index
      %swap3A_25 = tpu.vector_load %arg11[%swap3A] {strides = array<i32>} : memref<20480xi32, #tpu.memory_space<vmem>>, vector<16xi32>,
      tpu.vector_store %arg11[%swap3A], %broadcast_in_dim3A_3 {strides = array<i32>} : memref<20480xi32, #tpu.memory_space<vmem>>, vector<16xi32>,
      %mul3A_26 = arith.constant 8 : i32
      %mul3A_27 = arith.muli %scan3A_17, %mul3A_26 : i32
      %add3A_28 = arith.constant 1 : i32
      %add3A_29 = arith.addi %mul3A_27, %add3A_28 : i32
      %mul3A_30 = arith.constant 16 : i32
      %mul3A_31 = arith.muli %add3A_29, %mul3A_30 : i32
      %swap3A_32 = arith.index_cast %mul3A_31 : i32 to index
      %swap3A_33 = tpu.vector_load %arg11[%swap3A_32] {strides = array<i32>} : memref<20480xi32, #tpu.memory_space<vmem>>, vector<16xi32>,
      tpu.vector_store %arg11[%swap3A_32], %broadcast_in_dim3A_3 {strides = array<i32>} : memref<20480xi32, #tpu.memory_space<vmem>>, vector<16xi32>,
      %mul3A_34 = arith.constant 8 : i32
      %mul3A_35 = arith.muli %scan3A_17, %mul3A_34 : i32
      %add3A_36 = arith.constant 2 : i32
      %add3A_37 = arith.addi %mul3A_35, %add3A_36 : i32
      %mul3A_38 = arith.constant 16 : i32
      %mul3A_39 = arith.muli %add3A_37, %mul3A_38 : i32
      %swap3A_40 = arith.index_cast %mul3A_39 : i32 to index
      %swap3A_41 = tpu.vector_load %arg11[%swap3A_40] {strides = array<i32>} : memref<20480xi32, #tpu.memory_space<vmem>>, vector<16xi32>,
      tpu.vector_store %arg11[%swap3A_40], %broadcast_in_dim3A_3 {strides = array<i32>} : memref<20480xi32, #tpu.memory_space<vmem>>, vector<16xi32>,
      %mul3A_42 = arith.constant 8 : i32
      %mul3A_43 = arith.muli %scan3A_17, %mul3A_42 : i32
      %add3A_44 = arith.constant 3 : i32
      %add3A_45 = arith.addi %mul3A_43, %add3A_44 : i32
      %mul3A_46 = arith.constant 16 : i32
      %mul3A_47 = arith.muli %add3A_45, %mul3A_46 : i32
      %swap3A_48 = arith.index_cast %mul3A_47 : i32 to index
      %swap3A_49 = tpu.vector_load %arg11[%swap3A_48] {strides = array<i32>} : memref<20480xi32, #tpu.memory_space<vmem>>, vector<16xi32>,
      tpu.vector_store %arg11[%swap3A_48], %broadcast_in_dim3A_3 {strides = array<i32>} : memref<20480xi32, #tpu.memory_space<vmem>>, vector<16xi32>,
      %mul3A_50 = arith.constant 8 : i32
      %mul3A_51 = arith.muli %scan3A_17, %mul3A_50 : i32
      %add3A_52 = arith.constant 4 : i32
      %add3A_53 = arith.addi %mul3A_51, %add3A_52 : i32
      %mul3A_54 = arith.constant 16 : i32
      %mul3A_55 = arith.muli %add3A_53, %mul3A_54 : i32
      %swap3A_56 = arith.index_cast %mul3A_55 : i32 to index
      %swap3A_57 = tpu.vector_load %arg11[%swap3A_56] {strides = array<i32>} : memref<20480xi32, #tpu.memory_space<vmem>>, vector<16xi32>,
      tpu.vector_store %arg11[%swap3A_56], %broadcast_in_dim3A_3 {strides = array<i32>} : memref<20480xi32, #tpu.memory_space<vmem>>, vector<16xi32>,
      %mul3A_58 = arith.constant 8 : i32
      %mul3A_59 = arith.muli %scan3A_17, %mul3A_58 : i32
      %add3A_60 = arith.constant 5 : i32
      %add3A_61 = arith.addi %mul3A_59, %add3A_60 : i32
      %mul3A_62 = arith.constant 16 : i32
      %mul3A_63 = arith.muli %add3A_61, %mul3A_62 : i32
      %swap3A_64 = arith.index_cast %mul3A_63 : i32 to index
      %swap3A_65 = tpu.vector_load %arg11[%swap3A_64] {strides = array<i32>} : memref<20480xi32, #tpu.memory_space<vmem>>, vector<16xi32>,
      tpu.vector_store %arg11[%swap3A_64], %broadcast_in_dim3A_3 {strides = array<i32>} : memref<20480xi32, #tpu.memory_space<vmem>>, vector<16xi32>,
      %mul3A_66 = arith.constant 8 : i32
      %mul3A_67 = arith.muli %scan3A_17, %mul3A_66 : i32
      %add3A_68 = arith.constant 6 : i32
      %add3A_69 = arith.addi %mul3A_67, %add3A_68 : i32
      %mul3A_70 = arith.constant 16 : i32
      %mul3A_71 = arith.muli %add3A_69, %mul3A_70 : i32
      %swap3A_72 = arith.index_cast %mul3A_71 : i32 to index
      %swap3A_73 = tpu.vector_load %arg11[%swap3A_72] {strides = array<i32>} : memref<20480xi32, #tpu.memory_space<vmem>>, vector<16xi32>,
      tpu.vector_store %arg11[%swap3A_72], %broadcast_in_dim3A_3 {strides = array<i32>} : memref<20480xi32, #tpu.memory_space<vmem>>, vector<16xi32>,
      %mul3A_74 = arith.constant 8 : i32
      %mul3A_75 = arith.muli %scan3A_17, %mul3A_74 : i32
      %add3A_76 = arith.constant 7 : i32
      %add3A_77 = arith.addi %mul3A_75, %add3A_76 : i32
      %mul3A_78 = arith.constant 16 : i32
      %mul3A_79 = arith.muli %add3A_77, %mul3A_78 : i32
      %swap3A_80 = arith.index_cast %mul3A_79 : i32 to index
      %swap3A_81 = tpu.vector_load %arg11[%swap3A_80] {strides = array<i32>} : memref<20480xi32, #tpu.memory_space<vmem>>, vector<16xi32>,
      tpu.vector_store %arg11[%swap3A_80], %broadcast_in_dim3A_3 {strides = array<i32>} : memref<20480xi32, #tpu.memory_space<vmem>>, vector<16xi32>,
      %scan3A_82 = arith.constant 0 : i32
      scf.yield %scan3A_82 : i32
    }
    %scan3A_9 = arith.constant 160 : i32
    %scan3A_10 = arith.constant 0 : i32
    %scan3A_11 = arith.constant 0 : i32
    %scan3A_12 = arith.constant 125 : i32
    %scan3A_13 = arith.addi %scan3A_11, %scan3A_12 : i32
    %scan3A_14 = arith.constant 1 : i32
    %scan3A_15 = scf.for %scan3A_17 = %scan3A_11 to %scan3A_13 step %scan3A_14 iter_args(%scan3A_18 = %scan3A_10) -> (i32)  : i32 {
      %mul3A_19 = arith.constant 5 : i32
      %mul3A_20 = arith.muli %scan3A_17, %mul3A_19 : i32
      %add3A_21 = arith.constant 0 : i32
      %add3A_22 = arith.addi %mul3A_20, %add3A_21 : i32
      %mul3A_23 = arith.constant 16 : i32
      %mul3A_24 = arith.muli %add3A_22, %mul3A_23 : i32
      %get3A = arith.index_cast %mul3A_24 : i32 to index
      %get3A_25 = tpu.vector_load %arg7[%get3A] {strides = array<i32>} : memref<10000xi32, #tpu.memory_space<vmem>>, vector<16xi32>,
      %get3A_26 = arith.index_cast %mul3A_24 : i32 to index
      %get3A_27 = tpu.vector_load %arg8[%get3A_26] {strides = array<i32>} : memref<10000xi32, #tpu.memory_space<vmem>>, vector<16xi32>,
      %get3A_28 = arith.index_cast %mul3A_24 : i32 to index
      %get3A_29 = tpu.vector_load %arg9[%get3A_28] {strides = array<i32>} : memref<10000xi32, #tpu.memory_space<vmem>>, vector<16xi32>,
      %lt3A = arith.constant 5000 : i32
      %lt3A_30 = vector.broadcast %lt3A : i32 to vector<16xi32>
      %lt3A_31 = arith.cmpi slt, %get3A_27, %lt3A_30 : vector<16xi32>
      %add3A_32 = arith.constant 10240 : i32
      %add3A_33 = vector.broadcast %add3A_32 : i32 to vector<16xi32>
      %add3A_34 = arith.addi %get3A_29, %add3A_33 : vector<16xi32>
      %select_n3A = arith.select %lt3A_31, %get3A_29, %add3A_34 : vector<16xi1>, vector<16xi32>
      %broadcast_in_dim3A_35 = arith.constant true
      %broadcast_in_dim3A_36 = vector.broadcast %broadcast_in_dim3A_35 : i1 to vector<16xi1>
      %unique3A, %unique3A_37 = tpu.scan_count mask(%broadcast_in_dim3A_36 : vector<16xi1>) value(%select_n3A : vector<16xi32>) : vector<16xi1>, vector<16xi32>
      %shift_left3A = arith.constant 14 : i32
      %shift_left3A_38 = vector.broadcast %shift_left3A : i32 to vector<16xi32>
      %shift_left3A_39 = arith.shli %get3A_25, %shift_left3A_38 : vector<16xi32>
      %or3A = arith.ori %shift_left3A_39, %get3A_27 : vector<16xi32>
      tpu.vector_store_idx %arg10[%select_n3A], %or3A masked %unique3A : memref<20480xi32, #tpu.memory_space<vmem>>[vector<16xi32>], vector<16xi32>, vector<16xi1>
      tpu.vector_store_idx %arg11[%select_n3A], %unique3A_37 masked %unique3A {add = true} : memref<20480xi32, #tpu.memory_space<vmem>>[vector<16xi32>], vector<16xi32>, vector<16xi1>
      %mul3A_40 = arith.constant 5 : i32
      %mul3A_41 = arith.muli %scan3A_17, %mul3A_40 : i32
      %add3A_42 = arith.constant 1 : i32
      %add3A_43 = arith.addi %mul3A_41, %add3A_42 : i32
      %mul3A_44 = arith.constant 16 : i32
      %mul3A_45 = arith.muli %add3A_43, %mul3A_44 : i32
      %get3A_46 = arith.index_cast %mul3A_45 : i32 to index
      %get3A_47 = tpu.vector_load %arg7[%get3A_46] {strides = array<i32>} : memref<10000xi32, #tpu.memory_space<vmem>>, vector<16xi32>,
      %get3A_48 = arith.index_cast %mul3A_45 : i32 to index
      %get3A_49 = tpu.vector_load %arg8[%get3A_48] {strides = array<i32>} : memref<10000xi32, #tpu.memory_space<vmem>>, vector<16xi32>,
      %get3A_50 = arith.index_cast %mul3A_45 : i32 to index
      %get3A_51 = tpu.vector_load %arg9[%get3A_50] {strides = array<i32>} : memref<10000xi32, #tpu.memory_space<vmem>>, vector<16xi32>,
      %lt3A_52 = arith.constant 5000 : i32
      %lt3A_53 = vector.broadcast %lt3A_52 : i32 to vector<16xi32>
      %lt3A_54 = arith.cmpi slt, %get3A_49, %lt3A_53 : vector<16xi32>
      %add3A_55 = arith.constant 10240 : i32
      %add3A_56 = vector.broadcast %add3A_55 : i32 to vector<16xi32>
      %add3A_57 = arith.addi %get3A_51, %add3A_56 : vector<16xi32>
      %select_n3A_58 = arith.select %lt3A_54, %get3A_51, %add3A_57 : vector<16xi1>, vector<16xi32>
      %broadcast_in_dim3A_59 = arith.constant true
      %broadcast_in_dim3A_60 = vector.broadcast %broadcast_in_dim3A_59 : i1 to vector<16xi1>
      %unique3A_61, %unique3A_62 = tpu.scan_count mask(%broadcast_in_dim3A_60 : vector<16xi1>) value(%select_n3A_58 : vector<16xi32>) : vector<16xi1>, vector<16xi32>
      %shift_left3A_63 = arith.constant 14 : i32
      %shift_left3A_64 = vector.broadcast %shift_left3A_63 : i32 to vector<16xi32>
      %shift_left3A_65 = arith.shli %get3A_47, %shift_left3A_64 : vector<16xi32>
      %or3A_66 = arith.ori %shift_left3A_65, %get3A_49 : vector<16xi32>
      tpu.vector_store_idx %arg10[%select_n3A_58], %or3A_66 masked %unique3A_61 : memref<20480xi32, #tpu.memory_space<vmem>>[vector<16xi32>], vector<16xi32>, vector<16xi1>
      tpu.vector_store_idx %arg11[%select_n3A_58], %unique3A_62 masked %unique3A_61 {add = true} : memref<20480xi32, #tpu.memory_space<vmem>>[vector<16xi32>], vector<16xi32>, vector<16xi1>
      %mul3A_67 = arith.constant 5 : i32
      %mul3A_68 = arith.muli %scan3A_17, %mul3A_67 : i32
      %add3A_69 = arith.constant 2 : i32
      %add3A_70 = arith.addi %mul3A_68, %add3A_69 : i32
      %mul3A_71 = arith.constant 16 : i32
      %mul3A_72 = arith.muli %add3A_70, %mul3A_71 : i32
      %get3A_73 = arith.index_cast %mul3A_72 : i32 to index
      %get3A_74 = tpu.vector_load %arg7[%get3A_73] {strides = array<i32>} : memref<10000xi32, #tpu.memory_space<vmem>>, vector<16xi32>,
      %get3A_75 = arith.index_cast %mul3A_72 : i32 to index
      %get3A_76 = tpu.vector_load %arg8[%get3A_75] {strides = array<i32>} : memref<10000xi32, #tpu.memory_space<vmem>>, vector<16xi32>,
      %get3A_77 = arith.index_cast %mul3A_72 : i32 to index
      %get3A_78 = tpu.vector_load %arg9[%get3A_77] {strides = array<i32>} : memref<10000xi32, #tpu.memory_space<vmem>>, vector<16xi32>,
      %lt3A_79 = arith.constant 5000 : i32
      %lt3A_80 = vector.broadcast %lt3A_79 : i32 to vector<16xi32>
      %lt3A_81 = arith.cmpi slt, %get3A_76, %lt3A_80 : vector<16xi32>
      %add3A_82 = arith.constant 10240 : i32
      %add3A_83 = vector.broadcast %add3A_82 : i32 to vector<16xi32>
      %add3A_84 = arith.addi %get3A_78, %add3A_83 : vector<16xi32>
      %select_n3A_85 = arith.select %lt3A_81, %get3A_78, %add3A_84 : vector<16xi1>, vector<16xi32>
      %broadcast_in_dim3A_86 = arith.constant true
      %broadcast_in_dim3A_87 = vector.broadcast %broadcast_in_dim3A_86 : i1 to vector<16xi1>
      %unique3A_88, %unique3A_89 = tpu.scan_count mask(%broadcast_in_dim3A_87 : vector<16xi1>) value(%select_n3A_85 : vector<16xi32>) : vector<16xi1>, vector<16xi32>
      %shift_left3A_90 = arith.constant 14 : i32
      %shift_left3A_91 = vector.broadcast %shift_left3A_90 : i32 to vector<16xi32>
      %shift_left3A_92 = arith.shli %get3A_74, %shift_left3A_91 : vector<16xi32>
      %or3A_93 = arith.ori %shift_left3A_92, %get3A_76 : vector<16xi32>
      tpu.vector_store_idx %arg10[%select_n3A_85], %or3A_93 masked %unique3A_88 : memref<20480xi32, #tpu.memory_space<vmem>>[vector<16xi32>], vector<16xi32>, vector<16xi1>
      tpu.vector_store_idx %arg11[%select_n3A_85], %unique3A_89 masked %unique3A_88 {add = true} : memref<20480xi32, #tpu.memory_space<vmem>>[vector<16xi32>], vector<16xi32>, vector<16xi1>
      %mul3A_94 = arith.constant 5 : i32
      %mul3A_95 = arith.muli %scan3A_17, %mul3A_94 : i32
      %add3A_96 = arith.constant 3 : i32
      %add3A_97 = arith.addi %mul3A_95, %add3A_96 : i32
      %mul3A_98 = arith.constant 16 : i32
      %mul3A_99 = arith.muli %add3A_97, %mul3A_98 : i32
      %get3A_100 = arith.index_cast %mul3A_99 : i32 to index
      %get3A_101 = tpu.vector_load %arg7[%get3A_100] {strides = array<i32>} : memref<10000xi32, #tpu.memory_space<vmem>>, vector<16xi32>,
      %get3A_102 = arith.index_cast %mul3A_99 : i32 to index
      %get3A_103 = tpu.vector_load %arg8[%get3A_102] {strides = array<i32>} : memref<10000xi32, #tpu.memory_space<vmem>>, vector<16xi32>,
      %get3A_104 = arith.index_cast %mul3A_99 : i32 to index
      %get3A_105 = tpu.vector_load %arg9[%get3A_104] {strides = array<i32>} : memref<10000xi32, #tpu.memory_space<vmem>>, vector<16xi32>,
      %lt3A_106 = arith.constant 5000 : i32
      %lt3A_107 = vector.broadcast %lt3A_106 : i32 to vector<16xi32>
      %lt3A_108 = arith.cmpi slt, %get3A_103, %lt3A_107 : vector<16xi32>
      %add3A_109 = arith.constant 10240 : i32
      %add3A_110 = vector.broadcast %add3A_109 : i32 to vector<16xi32>
      %add3A_111 = arith.addi %get3A_105, %add3A_110 : vector<16xi32>
      %select_n3A_112 = arith.select %lt3A_108, %get3A_105, %add3A_111 : vector<16xi1>, vector<16xi32>
      %broadcast_in_dim3A_113 = arith.constant true
      %broadcast_in_dim3A_114 = vector.broadcast %broadcast_in_dim3A_113 : i1 to vector<16xi1>
      %unique3A_115, %unique3A_116 = tpu.scan_count mask(%broadcast_in_dim3A_114 : vector<16xi1>) value(%select_n3A_112 : vector<16xi32>) : vector<16xi1>, vector<16xi32>
      %shift_left3A_117 = arith.constant 14 : i32
      %shift_left3A_118 = vector.broadcast %shift_left3A_117 : i32 to vector<16xi32>
      %shift_left3A_119 = arith.shli %get3A_101, %shift_left3A_118 : vector<16xi32>
      %or3A_120 = arith.ori %shift_left3A_119, %get3A_103 : vector<16xi32>
      tpu.vector_store_idx %arg10[%select_n3A_112], %or3A_120 masked %unique3A_115 : memref<20480xi32, #tpu.memory_space<vmem>>[vector<16xi32>], vector<16xi32>, vector<16xi1>
      tpu.vector_store_idx %arg11[%select_n3A_112], %unique3A_116 masked %unique3A_115 {add = true} : memref<20480xi32, #tpu.memory_space<vmem>>[vector<16xi32>], vector<16xi32>, vector<16xi1>
      %mul3A_121 = arith.constant 5 : i32
      %mul3A_122 = arith.muli %scan3A_17, %mul3A_121 : i32
      %add3A_123 = arith.constant 4 : i32
      %add3A_124 = arith.addi %mul3A_122, %add3A_123 : i32
      %mul3A_125 = arith.constant 16 : i32
      %mul3A_126 = arith.muli %add3A_124, %mul3A_125 : i32
      %get3A_127 = arith.index_cast %mul3A_126 : i32 to index
      %get3A_128 = tpu.vector_load %arg7[%get3A_127] {strides = array<i32>} : memref<10000xi32, #tpu.memory_space<vmem>>, vector<16xi32>,
      %get3A_129 = arith.index_cast %mul3A_126 : i32 to index
      %get3A_130 = tpu.vector_load %arg8[%get3A_129] {strides = array<i32>} : memref<10000xi32, #tpu.memory_space<vmem>>, vector<16xi32>,
      %get3A_131 = arith.index_cast %mul3A_126 : i32 to index
      %get3A_132 = tpu.vector_load %arg9[%get3A_131] {strides = array<i32>} : memref<10000xi32, #tpu.memory_space<vmem>>, vector<16xi32>,
      %lt3A_133 = arith.constant 5000 : i32
      %lt3A_134 = vector.broadcast %lt3A_133 : i32 to vector<16xi32>
      %lt3A_135 = arith.cmpi slt, %get3A_130, %lt3A_134 : vector<16xi32>
      %add3A_136 = arith.constant 10240 : i32
      %add3A_137 = vector.broadcast %add3A_136 : i32 to vector<16xi32>
      %add3A_138 = arith.addi %get3A_132, %add3A_137 : vector<16xi32>
      %select_n3A_139 = arith.select %lt3A_135, %get3A_132, %add3A_138 : vector<16xi1>, vector<16xi32>
      %broadcast_in_dim3A_140 = arith.constant true
      %broadcast_in_dim3A_141 = vector.broadcast %broadcast_in_dim3A_140 : i1 to vector<16xi1>
      %unique3A_142, %unique3A_143 = tpu.scan_count mask(%broadcast_in_dim3A_141 : vector<16xi1>) value(%select_n3A_139 : vector<16xi32>) : vector<16xi1>, vector<16xi32>
      %shift_left3A_144 = arith.constant 14 : i32
      %shift_left3A_145 = vector.broadcast %shift_left3A_144 : i32 to vector<16xi32>
      %shift_left3A_146 = arith.shli %get3A_128, %shift_left3A_145 : vector<16xi32>
      %or3A_147 = arith.ori %shift_left3A_146, %get3A_130 : vector<16xi32>
      tpu.vector_store_idx %arg10[%select_n3A_139], %or3A_147 masked %unique3A_142 : memref<20480xi32, #tpu.memory_space<vmem>>[vector<16xi32>], vector<16xi32>, vector<16xi1>
      tpu.vector_store_idx %arg11[%select_n3A_139], %unique3A_143 masked %unique3A_142 {add = true} : memref<20480xi32, #tpu.memory_space<vmem>>[vector<16xi32>], vector<16xi32>, vector<16xi1>
      %scan3A_148 = arith.constant 0 : i32
      scf.yield %scan3A_148 : i32
    }
    %scan3A_16 = arith.constant 125 : i32
    "tpu.region"() ({
      %run_scoped3A = tpu.sem_alloc : memref<!tpu.dma_semaphore, #tpu.memory_space<semaphore_mem>>
      %dma_start3A = arith.constant 0 : i32
      %dma_start3A_17 = tpu.memref_slice %arg5[%add3A, %dma_start3A] : memref<32x20480xi32, #tpu.memory_space<hbm>> -> memref<1x20480xi32, #tpu.memory_space<hbm>>
      %dma_start3A_18 = tpu.memref_squeeze %dma_start3A_17 : memref<1x20480xi32, #tpu.memory_space<hbm>> -> memref<20480xi32, #tpu.memory_space<hbm>>
      %dma_start3A_19 = arith.constant 0 : i32
      %dma_start3A_20 = tpu.memref_slice %arg5[%add3A, %dma_start3A_19] : memref<32x20480xi32, #tpu.memory_space<hbm>> -> memref<1x20480xi32, #tpu.memory_space<hbm>>
      %dma_start3A_21 = tpu.memref_squeeze %dma_start3A_20 : memref<1x20480xi32, #tpu.memory_space<hbm>> -> memref<20480xi32, #tpu.memory_space<hbm>>
      tpu.enqueue_dma source(%arg10 : memref<20480xi32, #tpu.memory_space<vmem>>) target(%dma_start3A_21 : memref<20480xi32, #tpu.memory_space<hbm>>) target_semaphore(%run_scoped3A : memref<!tpu.dma_semaphore, #tpu.memory_space<semaphore_mem>>)
      %dma_wait3A = arith.constant 0 : i32
      %dma_wait3A_22 = tpu.memref_slice %arg5[%add3A, %dma_wait3A] : memref<32x20480xi32, #tpu.memory_space<hbm>> -> memref<1x20480xi32, #tpu.memory_space<hbm>>
      %dma_wait3A_23 = tpu.memref_squeeze %dma_wait3A_22 : memref<1x20480xi32, #tpu.memory_space<hbm>> -> memref<20480xi32, #tpu.memory_space<hbm>>
      %dma_wait3A_24 = arith.constant 0 : i32
      %dma_wait3A_25 = tpu.memref_slice %arg5[%add3A, %dma_wait3A_24] : memref<32x20480xi32, #tpu.memory_space<hbm>> -> memref<1x20480xi32, #tpu.memory_space<hbm>>
      %dma_wait3A_26 = tpu.memref_squeeze %dma_wait3A_25 : memref<1x20480xi32, #tpu.memory_space<hbm>> -> memref<20480xi32, #tpu.memory_space<hbm>>
      tpu.wait_dma2 semaphore(%run_scoped3A : memref<!tpu.dma_semaphore, #tpu.memory_space<semaphore_mem>>) src(%arg10 : memref<20480xi32, #tpu.memory_space<vmem>>) dst(%dma_wait3A_26 : memref<20480xi32, #tpu.memory_space<hbm>>)
      tpu.yield
    }) : () -> ()
    "tpu.region"() ({
      %run_scoped3A = tpu.sem_alloc : memref<!tpu.dma_semaphore, #tpu.memory_space<semaphore_mem>>
      %dma_start3A = arith.constant 0 : i32
      %dma_start3A_17 = tpu.memref_slice %arg6[%add3A, %dma_start3A] : memref<32x20480xi32, #tpu.memory_space<hbm>> -> memref<1x20480xi32, #tpu.memory_space<hbm>>
      %dma_start3A_18 = tpu.memref_squeeze %dma_start3A_17 : memref<1x20480xi32, #tpu.memory_space<hbm>> -> memref<20480xi32, #tpu.memory_space<hbm>>
      %dma_start3A_19 = arith.constant 0 : i32
      %dma_start3A_20 = tpu.memref_slice %arg6[%add3A, %dma_start3A_19] : memref<32x20480xi32, #tpu.memory_space<hbm>> -> memref<1x20480xi32, #tpu.memory_space<hbm>>
      %dma_start3A_21 = tpu.memref_squeeze %dma_start3A_20 : memref<1x20480xi32, #tpu.memory_space<hbm>> -> memref<20480xi32, #tpu.memory_space<hbm>>
      tpu.enqueue_dma source(%arg11 : memref<20480xi32, #tpu.memory_space<vmem>>) target(%dma_start3A_21 : memref<20480xi32, #tpu.memory_space<hbm>>) target_semaphore(%run_scoped3A : memref<!tpu.dma_semaphore, #tpu.memory_space<semaphore_mem>>)
      %dma_wait3A = arith.constant 0 : i32
      %dma_wait3A_22 = tpu.memref_slice %arg6[%add3A, %dma_wait3A] : memref<32x20480xi32, #tpu.memory_space<hbm>> -> memref<1x20480xi32, #tpu.memory_space<hbm>>
      %dma_wait3A_23 = tpu.memref_squeeze %dma_wait3A_22 : memref<1x20480xi32, #tpu.memory_space<hbm>> -> memref<20480xi32, #tpu.memory_space<hbm>>
      %dma_wait3A_24 = arith.constant 0 : i32
      %dma_wait3A_25 = tpu.memref_slice %arg6[%add3A, %dma_wait3A_24] : memref<32x20480xi32, #tpu.memory_space<hbm>> -> memref<1x20480xi32, #tpu.memory_space<hbm>>
      %dma_wait3A_26 = tpu.memref_squeeze %dma_wait3A_25 : memref<1x20480xi32, #tpu.memory_space<hbm>> -> memref<20480xi32, #tpu.memory_space<hbm>>
      tpu.wait_dma2 semaphore(%run_scoped3A : memref<!tpu.dma_semaphore, #tpu.memory_space<semaphore_mem>>) src(%arg11 : memref<20480xi32, #tpu.memory_space<vmem>>) dst(%dma_wait3A_26 : memref<20480xi32, #tpu.memory_space<hbm>>)
      tpu.yield
    }) : () -> ()
    return
  }
}

#map = affine_map<(d0, d1) -> (0, 0)>
#map1 = affine_map<(d0, d1) -> (0, 0, 0)>
module attributes {stable_mosaic.version = 14 : i64} {
  func.func @_phase_b(%arg0: i32, %arg1: i32, %arg2: memref<32x20480xi32, #tpu.memory_space<hbm>>, %arg3: memref<32x20480xi32, #tpu.memory_space<hbm>>, %arg4: memref<10000x128xf32, #tpu.memory_space<hbm>>, %arg5: memref<10001x128xf32, #tpu.memory_space<hbm>>, %arg6: memref<2x10240x128xf32, #tpu.memory_space<hbm>>, %arg7: memref<2x10240xf32, #tpu.memory_space<hbm>>, %arg8: memref<32x640xi32, #tpu.memory_space<vmem>>, %arg9: memref<32x640xi32, #tpu.memory_space<vmem>>, %arg10: memref<640xi32, #tpu.memory_space<vmem>>, %arg11: memref<640xi32, #tpu.memory_space<vmem>>, %arg12: memref<640xf32, #tpu.memory_space<vmem>>, %arg13: memref<128x128xf32, #tpu.memory_space<vmem>>, %arg14: memref<128x128xf32, #tpu.memory_space<vmem>>, %arg15: memref<!tpu.dma_semaphore, #tpu.memory_space<semaphore_mem>>, %arg16: memref<!tpu.dma_semaphore, #tpu.memory_space<semaphore_mem>>) attributes {dimension_semantics = [#tpu.dimension_semantics<core_parallel>, #tpu.dimension_semantics<subcore_parallel>], iteration_bounds = array<i64: 2, 16>, scalar_prefetch = 0 : i64, scratch_operands = 9 : i64, tpu.core_type = #tpu.core_type<sc_vector_subcore>, window_params = [{transform_indices = #map}, {transform_indices = #map}, {transform_indices = #map}, {transform_indices = #map}, {transform_indices = #map1}, {transform_indices = #map}]} {
    %mul3A = arith.constant 2 : i32
    %mul3A_0 = arith.muli %arg1, %mul3A : i32
    %add3A = arith.addi %mul3A_0, %arg0 : i32
    %mul3A_1 = arith.constant 640 : i32
    %mul3A_2 = arith.muli %add3A, %mul3A_1 : i32
    %jit3A = arith.constant 16 : i32
    %div3A = arith.divsi %add3A, %jit3A : i32
    %sign3A = arith.constant 0 : i32
    %sign3A_3 = arith.cmpi sgt, %add3A, %sign3A : i32
    %sign3A_4 = arith.extui %sign3A_3 : i1 to i32
    %sign3A_5 = arith.constant 0 : i32
    %sign3A_6 = arith.cmpi slt, %add3A, %sign3A_5 : i32
    %sign3A_7 = arith.extui %sign3A_6 : i1 to i32
    %sign3A_8 = arith.subi %sign3A_4, %sign3A_7 : i32
    %sign3A_9 = arith.constant 0 : i32
    %sign3A_10 = arith.cmpi sgt, %jit3A, %sign3A_9 : i32
    %sign3A_11 = arith.extui %sign3A_10 : i1 to i32
    %sign3A_12 = arith.constant 0 : i32
    %sign3A_13 = arith.cmpi slt, %jit3A, %sign3A_12 : i32
    %sign3A_14 = arith.extui %sign3A_13 : i1 to i32
    %sign3A_15 = arith.subi %sign3A_11, %sign3A_14 : i32
    %ne3A = arith.cmpi ne, %sign3A_8, %sign3A_15 : i32
    %rem3A = arith.remsi %add3A, %jit3A : i32
    %ne3A_16 = arith.constant 0 : i32
    %ne3A_17 = arith.cmpi ne, %rem3A, %ne3A_16 : i32
    %and3A = arith.andi %ne3A, %ne3A_17 : i1
    %sub3A = arith.constant 1 : i32
    %sub3A_18 = arith.subi %div3A, %sub3A : i32
    %select_n3A = arith.select %and3A, %sub3A_18, %div3A : i32
    %mul3A_19 = arith.constant 10240 : i32
    %mul3A_20 = arith.muli %select_n3A, %mul3A_19 : i32
    %sub3A_21 = arith.subi %mul3A_2, %mul3A_20 : i32
    "tpu.region"() ({
      %run_scoped3A = tpu.sem_alloc : memref<!tpu.dma_semaphore, #tpu.memory_space<semaphore_mem>>
      %dma_start3A = arith.constant 0 : i32
      %dma_start3A_35 = tpu.memref_slice %arg2[%dma_start3A, %mul3A_2] : memref<32x20480xi32, #tpu.memory_space<hbm>> -> memref<32x640xi32, #tpu.memory_space<hbm>>
      %dma_start3A_36 = arith.constant 0 : i32
      %dma_start3A_37 = tpu.memref_slice %arg2[%dma_start3A_36, %mul3A_2] : memref<32x20480xi32, #tpu.memory_space<hbm>> -> memref<32x640xi32, #tpu.memory_space<hbm>>
      tpu.enqueue_dma source(%dma_start3A_37 : memref<32x640xi32, #tpu.memory_space<hbm>>) target(%arg8 : memref<32x640xi32, #tpu.memory_space<vmem>>) target_semaphore(%run_scoped3A : memref<!tpu.dma_semaphore, #tpu.memory_space<semaphore_mem>>)
      %dma_wait3A = arith.constant 0 : i32
      %dma_wait3A_38 = tpu.memref_slice %arg2[%dma_wait3A, %mul3A_2] : memref<32x20480xi32, #tpu.memory_space<hbm>> -> memref<32x640xi32, #tpu.memory_space<hbm>>
      %dma_wait3A_39 = arith.constant 0 : i32
      %dma_wait3A_40 = tpu.memref_slice %arg2[%dma_wait3A_39, %mul3A_2] : memref<32x20480xi32, #tpu.memory_space<hbm>> -> memref<32x640xi32, #tpu.memory_space<hbm>>
      tpu.wait_dma2 semaphore(%run_scoped3A : memref<!tpu.dma_semaphore, #tpu.memory_space<semaphore_mem>>) src(%dma_wait3A_40 : memref<32x640xi32, #tpu.memory_space<hbm>>) dst(%arg8 : memref<32x640xi32, #tpu.memory_space<vmem>>)
      tpu.yield
    }) : () -> ()
    "tpu.region"() ({
      %run_scoped3A = tpu.sem_alloc : memref<!tpu.dma_semaphore, #tpu.memory_space<semaphore_mem>>
      %dma_start3A = arith.constant 0 : i32
      %dma_start3A_35 = tpu.memref_slice %arg3[%dma_start3A, %mul3A_2] : memref<32x20480xi32, #tpu.memory_space<hbm>> -> memref<32x640xi32, #tpu.memory_space<hbm>>
      %dma_start3A_36 = arith.constant 0 : i32
      %dma_start3A_37 = tpu.memref_slice %arg3[%dma_start3A_36, %mul3A_2] : memref<32x20480xi32, #tpu.memory_space<hbm>> -> memref<32x640xi32, #tpu.memory_space<hbm>>
      tpu.enqueue_dma source(%dma_start3A_37 : memref<32x640xi32, #tpu.memory_space<hbm>>) target(%arg9 : memref<32x640xi32, #tpu.memory_space<vmem>>) target_semaphore(%run_scoped3A : memref<!tpu.dma_semaphore, #tpu.memory_space<semaphore_mem>>)
      %dma_wait3A = arith.constant 0 : i32
      %dma_wait3A_38 = tpu.memref_slice %arg3[%dma_wait3A, %mul3A_2] : memref<32x20480xi32, #tpu.memory_space<hbm>> -> memref<32x640xi32, #tpu.memory_space<hbm>>
      %dma_wait3A_39 = arith.constant 0 : i32
      %dma_wait3A_40 = tpu.memref_slice %arg3[%dma_wait3A_39, %mul3A_2] : memref<32x20480xi32, #tpu.memory_space<hbm>> -> memref<32x640xi32, #tpu.memory_space<hbm>>
      tpu.wait_dma2 semaphore(%run_scoped3A : memref<!tpu.dma_semaphore, #tpu.memory_space<semaphore_mem>>) src(%dma_wait3A_40 : memref<32x640xi32, #tpu.memory_space<hbm>>) dst(%arg9 : memref<32x640xi32, #tpu.memory_space<vmem>>)
      tpu.yield
    }) : () -> ()
    %scan3A = arith.constant 0 : i32
    %scan3A_22 = arith.constant 0 : i32
    %scan3A_23 = arith.constant 40 : i32
    %scan3A_24 = arith.addi %scan3A_22, %scan3A_23 : i32
    %scan3A_25 = arith.constant 1 : i32
    %scan3A_26 = scf.for %scan3A_35 = %scan3A_22 to %scan3A_24 step %scan3A_25 iter_args(%scan3A_36 = %scan3A) -> (i32)  : i32 {
      %mul3A_37 = arith.constant 16 : i32
      %mul3A_38 = arith.muli %scan3A_35, %mul3A_37 : i32
      %broadcast_in_dim3A = arith.constant 0 : i32
      %broadcast_in_dim3A_39 = vector.broadcast %broadcast_in_dim3A : i32 to vector<16xi32>
      %get3A = arith.constant 0 : i32
      %get3A_40 = arith.index_cast %get3A : i32 to index
      %get3A_41 = arith.index_cast %mul3A_38 : i32 to index
      %get3A_42 = tpu.vector_load %arg9[%get3A_40, %get3A_41] {strides = array<i32>} : memref<32x640xi32, #tpu.memory_space<vmem>>, vector<16xi32>,
      %gt3A = arith.constant 0 : i32
      %gt3A_43 = vector.broadcast %gt3A : i32 to vector<16xi32>
      %gt3A_44 = arith.cmpi sgt, %get3A_42, %gt3A_43 : vector<16xi32>
      %get3A_45 = arith.constant 0 : i32
      %get3A_46 = arith.index_cast %get3A_45 : i32 to index
      %get3A_47 = arith.index_cast %mul3A_38 : i32 to index
      %get3A_48 = tpu.vector_load %arg8[%get3A_46, %get3A_47] {strides = array<i32>} : memref<32x640xi32, #tpu.memory_space<vmem>>, vector<16xi32>,
      %select_n3A_49 = arith.select %gt3A_44, %get3A_48, %broadcast_in_dim3A_39 : vector<16xi1>, vector<16xi32>
      %add3A_50 = arith.addi %broadcast_in_dim3A_39, %get3A_42 : vector<16xi32>
      %get3A_51 = arith.constant 1 : i32
      %get3A_52 = arith.index_cast %get3A_51 : i32 to index
      %get3A_53 = arith.index_cast %mul3A_38 : i32 to index
      %get3A_54 = tpu.vector_load %arg9[%get3A_52, %get3A_53] {strides = array<i32>} : memref<32x640xi32, #tpu.memory_space<vmem>>, vector<16xi32>,
      %gt3A_55 = arith.constant 0 : i32
      %gt3A_56 = vector.broadcast %gt3A_55 : i32 to vector<16xi32>
      %gt3A_57 = arith.cmpi sgt, %get3A_54, %gt3A_56 : vector<16xi32>
      %get3A_58 = arith.constant 1 : i32
      %get3A_59 = arith.index_cast %get3A_58 : i32 to index
      %get3A_60 = arith.index_cast %mul3A_38 : i32 to index
      %get3A_61 = tpu.vector_load %arg8[%get3A_59, %get3A_60] {strides = array<i32>} : memref<32x640xi32, #tpu.memory_space<vmem>>, vector<16xi32>,
      %select_n3A_62 = arith.select %gt3A_57, %get3A_61, %select_n3A_49 : vector<16xi1>, vector<16xi32>
      %add3A_63 = arith.addi %add3A_50, %get3A_54 : vector<16xi32>
      %get3A_64 = arith.constant 2 : i32
      %get3A_65 = arith.index_cast %get3A_64 : i32 to index
      %get3A_66 = arith.index_cast %mul3A_38 : i32 to index
      %get3A_67 = tpu.vector_load %arg9[%get3A_65, %get3A_66] {strides = array<i32>} : memref<32x640xi32, #tpu.memory_space<vmem>>, vector<16xi32>,
      %gt3A_68 = arith.constant 0 : i32
      %gt3A_69 = vector.broadcast %gt3A_68 : i32 to vector<16xi32>
      %gt3A_70 = arith.cmpi sgt, %get3A_67, %gt3A_69 : vector<16xi32>
      %get3A_71 = arith.constant 2 : i32
      %get3A_72 = arith.index_cast %get3A_71 : i32 to index
      %get3A_73 = arith.index_cast %mul3A_38 : i32 to index
      %get3A_74 = tpu.vector_load %arg8[%get3A_72, %get3A_73] {strides = array<i32>} : memref<32x640xi32, #tpu.memory_space<vmem>>, vector<16xi32>,
      %select_n3A_75 = arith.select %gt3A_70, %get3A_74, %select_n3A_62 : vector<16xi1>, vector<16xi32>
      %add3A_76 = arith.addi %add3A_63, %get3A_67 : vector<16xi32>
      %get3A_77 = arith.constant 3 : i32
      %get3A_78 = arith.index_cast %get3A_77 : i32 to index
      %get3A_79 = arith.index_cast %mul3A_38 : i32 to index
      %get3A_80 = tpu.vector_load %arg9[%get3A_78, %get3A_79] {strides = array<i32>} : memref<32x640xi32, #tpu.memory_space<vmem>>, vector<16xi32>,
      %gt3A_81 = arith.constant 0 : i32
      %gt3A_82 = vector.broadcast %gt3A_81 : i32 to vector<16xi32>
      %gt3A_83 = arith.cmpi sgt, %get3A_80, %gt3A_82 : vector<16xi32>
      %get3A_84 = arith.constant 3 : i32
      %get3A_85 = arith.index_cast %get3A_84 : i32 to index
      %get3A_86 = arith.index_cast %mul3A_38 : i32 to index
      %get3A_87 = tpu.vector_load %arg8[%get3A_85, %get3A_86] {strides = array<i32>} : memref<32x640xi32, #tpu.memory_space<vmem>>, vector<16xi32>,
      %select_n3A_88 = arith.select %gt3A_83, %get3A_87, %select_n3A_75 : vector<16xi1>, vector<16xi32>
      %add3A_89 = arith.addi %add3A_76, %get3A_80 : vector<16xi32>
      %get3A_90 = arith.constant 4 : i32
      %get3A_91 = arith.index_cast %get3A_90 : i32 to index
      %get3A_92 = arith.index_cast %mul3A_38 : i32 to index
      %get3A_93 = tpu.vector_load %arg9[%get3A_91, %get3A_92] {strides = array<i32>} : memref<32x640xi32, #tpu.memory_space<vmem>>, vector<16xi32>,
      %gt3A_94 = arith.constant 0 : i32
      %gt3A_95 = vector.broadcast %gt3A_94 : i32 to vector<16xi32>
      %gt3A_96 = arith.cmpi sgt, %get3A_93, %gt3A_95 : vector<16xi32>
      %get3A_97 = arith.constant 4 : i32
      %get3A_98 = arith.index_cast %get3A_97 : i32 to index
      %get3A_99 = arith.index_cast %mul3A_38 : i32 to index
      %get3A_100 = tpu.vector_load %arg8[%get3A_98, %get3A_99] {strides = array<i32>} : memref<32x640xi32, #tpu.memory_space<vmem>>, vector<16xi32>,
      %select_n3A_101 = arith.select %gt3A_96, %get3A_100, %select_n3A_88 : vector<16xi1>, vector<16xi32>
      %add3A_102 = arith.addi %add3A_89, %get3A_93 : vector<16xi32>
      %get3A_103 = arith.constant 5 : i32
      %get3A_104 = arith.index_cast %get3A_103 : i32 to index
      %get3A_105 = arith.index_cast %mul3A_38 : i32 to index
      %get3A_106 = tpu.vector_load %arg9[%get3A_104, %get3A_105] {strides = array<i32>} : memref<32x640xi32, #tpu.memory_space<vmem>>, vector<16xi32>,
      %gt3A_107 = arith.constant 0 : i32
      %gt3A_108 = vector.broadcast %gt3A_107 : i32 to vector<16xi32>
      %gt3A_109 = arith.cmpi sgt, %get3A_106, %gt3A_108 : vector<16xi32>
      %get3A_110 = arith.constant 5 : i32
      %get3A_111 = arith.index_cast %get3A_110 : i32 to index
      %get3A_112 = arith.index_cast %mul3A_38 : i32 to index
      %get3A_113 = tpu.vector_load %arg8[%get3A_111, %get3A_112] {strides = array<i32>} : memref<32x640xi32, #tpu.memory_space<vmem>>, vector<16xi32>,
      %select_n3A_114 = arith.select %gt3A_109, %get3A_113, %select_n3A_101 : vector<16xi1>, vector<16xi32>
      %add3A_115 = arith.addi %add3A_102, %get3A_106 : vector<16xi32>
      %get3A_116 = arith.constant 6 : i32
      %get3A_117 = arith.index_cast %get3A_116 : i32 to index
      %get3A_118 = arith.index_cast %mul3A_38 : i32 to index
      %get3A_119 = tpu.vector_load %arg9[%get3A_117, %get3A_118] {strides = array<i32>} : memref<32x640xi32, #tpu.memory_space<vmem>>, vector<16xi32>,
      %gt3A_120 = arith.constant 0 : i32
      %gt3A_121 = vector.broadcast %gt3A_120 : i32 to vector<16xi32>
      %gt3A_122 = arith.cmpi sgt, %get3A_119, %gt3A_121 : vector<16xi32>
      %get3A_123 = arith.constant 6 : i32
      %get3A_124 = arith.index_cast %get3A_123 : i32 to index
      %get3A_125 = arith.index_cast %mul3A_38 : i32 to index
      %get3A_126 = tpu.vector_load %arg8[%get3A_124, %get3A_125] {strides = array<i32>} : memref<32x640xi32, #tpu.memory_space<vmem>>, vector<16xi32>,
      %select_n3A_127 = arith.select %gt3A_122, %get3A_126, %select_n3A_114 : vector<16xi1>, vector<16xi32>
      %add3A_128 = arith.addi %add3A_115, %get3A_119 : vector<16xi32>
      %get3A_129 = arith.constant 7 : i32
      %get3A_130 = arith.index_cast %get3A_129 : i32 to index
      %get3A_131 = arith.index_cast %mul3A_38 : i32 to index
      %get3A_132 = tpu.vector_load %arg9[%get3A_130, %get3A_131] {strides = array<i32>} : memref<32x640xi32, #tpu.memory_space<vmem>>, vector<16xi32>,
      %gt3A_133 = arith.constant 0 : i32
      %gt3A_134 = vector.broadcast %gt3A_133 : i32 to vector<16xi32>
      %gt3A_135 = arith.cmpi sgt, %get3A_132, %gt3A_134 : vector<16xi32>
      %get3A_136 = arith.constant 7 : i32
      %get3A_137 = arith.index_cast %get3A_136 : i32 to index
      %get3A_138 = arith.index_cast %mul3A_38 : i32 to index
      %get3A_139 = tpu.vector_load %arg8[%get3A_137, %get3A_138] {strides = array<i32>} : memref<32x640xi32, #tpu.memory_space<vmem>>, vector<16xi32>,
      %select_n3A_140 = arith.select %gt3A_135, %get3A_139, %select_n3A_127 : vector<16xi1>, vector<16xi32>
      %add3A_141 = arith.addi %add3A_128, %get3A_132 : vector<16xi32>
      %get3A_142 = arith.constant 8 : i32
      %get3A_143 = arith.index_cast %get3A_142 : i32 to index
      %get3A_144 = arith.index_cast %mul3A_38 : i32 to index
      %get3A_145 = tpu.vector_load %arg9[%get3A_143, %get3A_144] {strides = array<i32>} : memref<32x640xi32, #tpu.memory_space<vmem>>, vector<16xi32>,
      %gt3A_146 = arith.constant 0 : i32
      %gt3A_147 = vector.broadcast %gt3A_146 : i32 to vector<16xi32>
      %gt3A_148 = arith.cmpi sgt, %get3A_145, %gt3A_147 : vector<16xi32>
      %get3A_149 = arith.constant 8 : i32
      %get3A_150 = arith.index_cast %get3A_149 : i32 to index
      %get3A_151 = arith.index_cast %mul3A_38 : i32 to index
      %get3A_152 = tpu.vector_load %arg8[%get3A_150, %get3A_151] {strides = array<i32>} : memref<32x640xi32, #tpu.memory_space<vmem>>, vector<16xi32>,
      %select_n3A_153 = arith.select %gt3A_148, %get3A_152, %select_n3A_140 : vector<16xi1>, vector<16xi32>
      %add3A_154 = arith.addi %add3A_141, %get3A_145 : vector<16xi32>
      %get3A_155 = arith.constant 9 : i32
      %get3A_156 = arith.index_cast %get3A_155 : i32 to index
      %get3A_157 = arith.index_cast %mul3A_38 : i32 to index
      %get3A_158 = tpu.vector_load %arg9[%get3A_156, %get3A_157] {strides = array<i32>} : memref<32x640xi32, #tpu.memory_space<vmem>>, vector<16xi32>,
      %gt3A_159 = arith.constant 0 : i32
      %gt3A_160 = vector.broadcast %gt3A_159 : i32 to vector<16xi32>
      %gt3A_161 = arith.cmpi sgt, %get3A_158, %gt3A_160 : vector<16xi32>
      %get3A_162 = arith.constant 9 : i32
      %get3A_163 = arith.index_cast %get3A_162 : i32 to index
      %get3A_164 = arith.index_cast %mul3A_38 : i32 to index
      %get3A_165 = tpu.vector_load %arg8[%get3A_163, %get3A_164] {strides = array<i32>} : memref<32x640xi32, #tpu.memory_space<vmem>>, vector<16xi32>,
      %select_n3A_166 = arith.select %gt3A_161, %get3A_165, %select_n3A_153 : vector<16xi1>, vector<16xi32>
      %add3A_167 = arith.addi %add3A_154, %get3A_158 : vector<16xi32>
      %get3A_168 = arith.constant 10 : i32
      %get3A_169 = arith.index_cast %get3A_168 : i32 to index
      %get3A_170 = arith.index_cast %mul3A_38 : i32 to index
      %get3A_171 = tpu.vector_load %arg9[%get3A_169, %get3A_170] {strides = array<i32>} : memref<32x640xi32, #tpu.memory_space<vmem>>, vector<16xi32>,
      %gt3A_172 = arith.constant 0 : i32
      %gt3A_173 = vector.broadcast %gt3A_172 : i32 to vector<16xi32>
      %gt3A_174 = arith.cmpi sgt, %get3A_171, %gt3A_173 : vector<16xi32>
      %get3A_175 = arith.constant 10 : i32
      %get3A_176 = arith.index_cast %get3A_175 : i32 to index
      %get3A_177 = arith.index_cast %mul3A_38 : i32 to index
      %get3A_178 = tpu.vector_load %arg8[%get3A_176, %get3A_177] {strides = array<i32>} : memref<32x640xi32, #tpu.memory_space<vmem>>, vector<16xi32>,
      %select_n3A_179 = arith.select %gt3A_174, %get3A_178, %select_n3A_166 : vector<16xi1>, vector<16xi32>
      %add3A_180 = arith.addi %add3A_167, %get3A_171 : vector<16xi32>
      %get3A_181 = arith.constant 11 : i32
      %get3A_182 = arith.index_cast %get3A_181 : i32 to index
      %get3A_183 = arith.index_cast %mul3A_38 : i32 to index
      %get3A_184 = tpu.vector_load %arg9[%get3A_182, %get3A_183] {strides = array<i32>} : memref<32x640xi32, #tpu.memory_space<vmem>>, vector<16xi32>,
      %gt3A_185 = arith.constant 0 : i32
      %gt3A_186 = vector.broadcast %gt3A_185 : i32 to vector<16xi32>
      %gt3A_187 = arith.cmpi sgt, %get3A_184, %gt3A_186 : vector<16xi32>
      %get3A_188 = arith.constant 11 : i32
      %get3A_189 = arith.index_cast %get3A_188 : i32 to index
      %get3A_190 = arith.index_cast %mul3A_38 : i32 to index
      %get3A_191 = tpu.vector_load %arg8[%get3A_189, %get3A_190] {strides = array<i32>} : memref<32x640xi32, #tpu.memory_space<vmem>>, vector<16xi32>,
      %select_n3A_192 = arith.select %gt3A_187, %get3A_191, %select_n3A_179 : vector<16xi1>, vector<16xi32>
      %add3A_193 = arith.addi %add3A_180, %get3A_184 : vector<16xi32>
      %get3A_194 = arith.constant 12 : i32
      %get3A_195 = arith.index_cast %get3A_194 : i32 to index
      %get3A_196 = arith.index_cast %mul3A_38 : i32 to index
      %get3A_197 = tpu.vector_load %arg9[%get3A_195, %get3A_196] {strides = array<i32>} : memref<32x640xi32, #tpu.memory_space<vmem>>, vector<16xi32>,
      %gt3A_198 = arith.constant 0 : i32
      %gt3A_199 = vector.broadcast %gt3A_198 : i32 to vector<16xi32>
      %gt3A_200 = arith.cmpi sgt, %get3A_197, %gt3A_199 : vector<16xi32>
      %get3A_201 = arith.constant 12 : i32
      %get3A_202 = arith.index_cast %get3A_201 : i32 to index
      %get3A_203 = arith.index_cast %mul3A_38 : i32 to index
      %get3A_204 = tpu.vector_load %arg8[%get3A_202, %get3A_203] {strides = array<i32>} : memref<32x640xi32, #tpu.memory_space<vmem>>, vector<16xi32>,
      %select_n3A_205 = arith.select %gt3A_200, %get3A_204, %select_n3A_192 : vector<16xi1>, vector<16xi32>
      %add3A_206 = arith.addi %add3A_193, %get3A_197 : vector<16xi32>
      %get3A_207 = arith.constant 13 : i32
      %get3A_208 = arith.index_cast %get3A_207 : i32 to index
      %get3A_209 = arith.index_cast %mul3A_38 : i32 to index
      %get3A_210 = tpu.vector_load %arg9[%get3A_208, %get3A_209] {strides = array<i32>} : memref<32x640xi32, #tpu.memory_space<vmem>>, vector<16xi32>,
      %gt3A_211 = arith.constant 0 : i32
      %gt3A_212 = vector.broadcast %gt3A_211 : i32 to vector<16xi32>
      %gt3A_213 = arith.cmpi sgt, %get3A_210, %gt3A_212 : vector<16xi32>
      %get3A_214 = arith.constant 13 : i32
      %get3A_215 = arith.index_cast %get3A_214 : i32 to index
      %get3A_216 = arith.index_cast %mul3A_38 : i32 to index
      %get3A_217 = tpu.vector_load %arg8[%get3A_215, %get3A_216] {strides = array<i32>} : memref<32x640xi32, #tpu.memory_space<vmem>>, vector<16xi32>,
      %select_n3A_218 = arith.select %gt3A_213, %get3A_217, %select_n3A_205 : vector<16xi1>, vector<16xi32>
      %add3A_219 = arith.addi %add3A_206, %get3A_210 : vector<16xi32>
      %get3A_220 = arith.constant 14 : i32
      %get3A_221 = arith.index_cast %get3A_220 : i32 to index
      %get3A_222 = arith.index_cast %mul3A_38 : i32 to index
      %get3A_223 = tpu.vector_load %arg9[%get3A_221, %get3A_222] {strides = array<i32>} : memref<32x640xi32, #tpu.memory_space<vmem>>, vector<16xi32>,
      %gt3A_224 = arith.constant 0 : i32
      %gt3A_225 = vector.broadcast %gt3A_224 : i32 to vector<16xi32>
      %gt3A_226 = arith.cmpi sgt, %get3A_223, %gt3A_225 : vector<16xi32>
      %get3A_227 = arith.constant 14 : i32
      %get3A_228 = arith.index_cast %get3A_227 : i32 to index
      %get3A_229 = arith.index_cast %mul3A_38 : i32 to index
      %get3A_230 = tpu.vector_load %arg8[%get3A_228, %get3A_229] {strides = array<i32>} : memref<32x640xi32, #tpu.memory_space<vmem>>, vector<16xi32>,
      %select_n3A_231 = arith.select %gt3A_226, %get3A_230, %select_n3A_218 : vector<16xi1>, vector<16xi32>
      %add3A_232 = arith.addi %add3A_219, %get3A_223 : vector<16xi32>
      %get3A_233 = arith.constant 15 : i32
      %get3A_234 = arith.index_cast %get3A_233 : i32 to index
      %get3A_235 = arith.index_cast %mul3A_38 : i32 to index
      %get3A_236 = tpu.vector_load %arg9[%get3A_234, %get3A_235] {strides = array<i32>} : memref<32x640xi32, #tpu.memory_space<vmem>>, vector<16xi32>,
      %gt3A_237 = arith.constant 0 : i32
      %gt3A_238 = vector.broadcast %gt3A_237 : i32 to vector<16xi32>
      %gt3A_239 = arith.cmpi sgt, %get3A_236, %gt3A_238 : vector<16xi32>
      %get3A_240 = arith.constant 15 : i32
      %get3A_241 = arith.index_cast %get3A_240 : i32 to index
      %get3A_242 = arith.index_cast %mul3A_38 : i32 to index
      %get3A_243 = tpu.vector_load %arg8[%get3A_241, %get3A_242] {strides = array<i32>} : memref<32x640xi32, #tpu.memory_space<vmem>>, vector<16xi32>,
      %select_n3A_244 = arith.select %gt3A_239, %get3A_243, %select_n3A_231 : vector<16xi1>, vector<16xi32>
      %add3A_245 = arith.addi %add3A_232, %get3A_236 : vector<16xi32>
      %get3A_246 = arith.constant 16 : i32
      %get3A_247 = arith.index_cast %get3A_246 : i32 to index
      %get3A_248 = arith.index_cast %mul3A_38 : i32 to index
      %get3A_249 = tpu.vector_load %arg9[%get3A_247, %get3A_248] {strides = array<i32>} : memref<32x640xi32, #tpu.memory_space<vmem>>, vector<16xi32>,
      %gt3A_250 = arith.constant 0 : i32
      %gt3A_251 = vector.broadcast %gt3A_250 : i32 to vector<16xi32>
      %gt3A_252 = arith.cmpi sgt, %get3A_249, %gt3A_251 : vector<16xi32>
      %get3A_253 = arith.constant 16 : i32
      %get3A_254 = arith.index_cast %get3A_253 : i32 to index
      %get3A_255 = arith.index_cast %mul3A_38 : i32 to index
      %get3A_256 = tpu.vector_load %arg8[%get3A_254, %get3A_255] {strides = array<i32>} : memref<32x640xi32, #tpu.memory_space<vmem>>, vector<16xi32>,
      %select_n3A_257 = arith.select %gt3A_252, %get3A_256, %select_n3A_244 : vector<16xi1>, vector<16xi32>
      %add3A_258 = arith.addi %add3A_245, %get3A_249 : vector<16xi32>
      %get3A_259 = arith.constant 17 : i32
      %get3A_260 = arith.index_cast %get3A_259 : i32 to index
      %get3A_261 = arith.index_cast %mul3A_38 : i32 to index
      %get3A_262 = tpu.vector_load %arg9[%get3A_260, %get3A_261] {strides = array<i32>} : memref<32x640xi32, #tpu.memory_space<vmem>>, vector<16xi32>,
      %gt3A_263 = arith.constant 0 : i32
      %gt3A_264 = vector.broadcast %gt3A_263 : i32 to vector<16xi32>
      %gt3A_265 = arith.cmpi sgt, %get3A_262, %gt3A_264 : vector<16xi32>
      %get3A_266 = arith.constant 17 : i32
      %get3A_267 = arith.index_cast %get3A_266 : i32 to index
      %get3A_268 = arith.index_cast %mul3A_38 : i32 to index
      %get3A_269 = tpu.vector_load %arg8[%get3A_267, %get3A_268] {strides = array<i32>} : memref<32x640xi32, #tpu.memory_space<vmem>>, vector<16xi32>,
      %select_n3A_270 = arith.select %gt3A_265, %get3A_269, %select_n3A_257 : vector<16xi1>, vector<16xi32>
      %add3A_271 = arith.addi %add3A_258, %get3A_262 : vector<16xi32>
      %get3A_272 = arith.constant 18 : i32
      %get3A_273 = arith.index_cast %get3A_272 : i32 to index
      %get3A_274 = arith.index_cast %mul3A_38 : i32 to index
      %get3A_275 = tpu.vector_load %arg9[%get3A_273, %get3A_274] {strides = array<i32>} : memref<32x640xi32, #tpu.memory_space<vmem>>, vector<16xi32>,
      %gt3A_276 = arith.constant 0 : i32
      %gt3A_277 = vector.broadcast %gt3A_276 : i32 to vector<16xi32>
      %gt3A_278 = arith.cmpi sgt, %get3A_275, %gt3A_277 : vector<16xi32>
      %get3A_279 = arith.constant 18 : i32
      %get3A_280 = arith.index_cast %get3A_279 : i32 to index
      %get3A_281 = arith.index_cast %mul3A_38 : i32 to index
      %get3A_282 = tpu.vector_load %arg8[%get3A_280, %get3A_281] {strides = array<i32>} : memref<32x640xi32, #tpu.memory_space<vmem>>, vector<16xi32>,
      %select_n3A_283 = arith.select %gt3A_278, %get3A_282, %select_n3A_270 : vector<16xi1>, vector<16xi32>
      %add3A_284 = arith.addi %add3A_271, %get3A_275 : vector<16xi32>
      %get3A_285 = arith.constant 19 : i32
      %get3A_286 = arith.index_cast %get3A_285 : i32 to index
      %get3A_287 = arith.index_cast %mul3A_38 : i32 to index
      %get3A_288 = tpu.vector_load %arg9[%get3A_286, %get3A_287] {strides = array<i32>} : memref<32x640xi32, #tpu.memory_space<vmem>>, vector<16xi32>,
      %gt3A_289 = arith.constant 0 : i32
      %gt3A_290 = vector.broadcast %gt3A_289 : i32 to vector<16xi32>
      %gt3A_291 = arith.cmpi sgt, %get3A_288, %gt3A_290 : vector<16xi32>
      %get3A_292 = arith.constant 19 : i32
      %get3A_293 = arith.index_cast %get3A_292 : i32 to index
      %get3A_294 = arith.index_cast %mul3A_38 : i32 to index
      %get3A_295 = tpu.vector_load %arg8[%get3A_293, %get3A_294] {strides = array<i32>} : memref<32x640xi32, #tpu.memory_space<vmem>>, vector<16xi32>,
      %select_n3A_296 = arith.select %gt3A_291, %get3A_295, %select_n3A_283 : vector<16xi1>, vector<16xi32>
      %add3A_297 = arith.addi %add3A_284, %get3A_288 : vector<16xi32>
      %get3A_298 = arith.constant 20 : i32
      %get3A_299 = arith.index_cast %get3A_298 : i32 to index
      %get3A_300 = arith.index_cast %mul3A_38 : i32 to index
      %get3A_301 = tpu.vector_load %arg9[%get3A_299, %get3A_300] {strides = array<i32>} : memref<32x640xi32, #tpu.memory_space<vmem>>, vector<16xi32>,
      %gt3A_302 = arith.constant 0 : i32
      %gt3A_303 = vector.broadcast %gt3A_302 : i32 to vector<16xi32>
      %gt3A_304 = arith.cmpi sgt, %get3A_301, %gt3A_303 : vector<16xi32>
      %get3A_305 = arith.constant 20 : i32
      %get3A_306 = arith.index_cast %get3A_305 : i32 to index
      %get3A_307 = arith.index_cast %mul3A_38 : i32 to index
      %get3A_308 = tpu.vector_load %arg8[%get3A_306, %get3A_307] {strides = array<i32>} : memref<32x640xi32, #tpu.memory_space<vmem>>, vector<16xi32>,
      %select_n3A_309 = arith.select %gt3A_304, %get3A_308, %select_n3A_296 : vector<16xi1>, vector<16xi32>
      %add3A_310 = arith.addi %add3A_297, %get3A_301 : vector<16xi32>
      %get3A_311 = arith.constant 21 : i32
      %get3A_312 = arith.index_cast %get3A_311 : i32 to index
      %get3A_313 = arith.index_cast %mul3A_38 : i32 to index
      %get3A_314 = tpu.vector_load %arg9[%get3A_312, %get3A_313] {strides = array<i32>} : memref<32x640xi32, #tpu.memory_space<vmem>>, vector<16xi32>,
      %gt3A_315 = arith.constant 0 : i32
      %gt3A_316 = vector.broadcast %gt3A_315 : i32 to vector<16xi32>
      %gt3A_317 = arith.cmpi sgt, %get3A_314, %gt3A_316 : vector<16xi32>
      %get3A_318 = arith.constant 21 : i32
      %get3A_319 = arith.index_cast %get3A_318 : i32 to index
      %get3A_320 = arith.index_cast %mul3A_38 : i32 to index
      %get3A_321 = tpu.vector_load %arg8[%get3A_319, %get3A_320] {strides = array<i32>} : memref<32x640xi32, #tpu.memory_space<vmem>>, vector<16xi32>,
      %select_n3A_322 = arith.select %gt3A_317, %get3A_321, %select_n3A_309 : vector<16xi1>, vector<16xi32>
      %add3A_323 = arith.addi %add3A_310, %get3A_314 : vector<16xi32>
      %get3A_324 = arith.constant 22 : i32
      %get3A_325 = arith.index_cast %get3A_324 : i32 to index
      %get3A_326 = arith.index_cast %mul3A_38 : i32 to index
      %get3A_327 = tpu.vector_load %arg9[%get3A_325, %get3A_326] {strides = array<i32>} : memref<32x640xi32, #tpu.memory_space<vmem>>, vector<16xi32>,
      %gt3A_328 = arith.constant 0 : i32
      %gt3A_329 = vector.broadcast %gt3A_328 : i32 to vector<16xi32>
      %gt3A_330 = arith.cmpi sgt, %get3A_327, %gt3A_329 : vector<16xi32>
      %get3A_331 = arith.constant 22 : i32
      %get3A_332 = arith.index_cast %get3A_331 : i32 to index
      %get3A_333 = arith.index_cast %mul3A_38 : i32 to index
      %get3A_334 = tpu.vector_load %arg8[%get3A_332, %get3A_333] {strides = array<i32>} : memref<32x640xi32, #tpu.memory_space<vmem>>, vector<16xi32>,
      %select_n3A_335 = arith.select %gt3A_330, %get3A_334, %select_n3A_322 : vector<16xi1>, vector<16xi32>
      %add3A_336 = arith.addi %add3A_323, %get3A_327 : vector<16xi32>
      %get3A_337 = arith.constant 23 : i32
      %get3A_338 = arith.index_cast %get3A_337 : i32 to index
      %get3A_339 = arith.index_cast %mul3A_38 : i32 to index
      %get3A_340 = tpu.vector_load %arg9[%get3A_338, %get3A_339] {strides = array<i32>} : memref<32x640xi32, #tpu.memory_space<vmem>>, vector<16xi32>,
      %gt3A_341 = arith.constant 0 : i32
      %gt3A_342 = vector.broadcast %gt3A_341 : i32 to vector<16xi32>
      %gt3A_343 = arith.cmpi sgt, %get3A_340, %gt3A_342 : vector<16xi32>
      %get3A_344 = arith.constant 23 : i32
      %get3A_345 = arith.index_cast %get3A_344 : i32 to index
      %get3A_346 = arith.index_cast %mul3A_38 : i32 to index
      %get3A_347 = tpu.vector_load %arg8[%get3A_345, %get3A_346] {strides = array<i32>} : memref<32x640xi32, #tpu.memory_space<vmem>>, vector<16xi32>,
      %select_n3A_348 = arith.select %gt3A_343, %get3A_347, %select_n3A_335 : vector<16xi1>, vector<16xi32>
      %add3A_349 = arith.addi %add3A_336, %get3A_340 : vector<16xi32>
      %get3A_350 = arith.constant 24 : i32
      %get3A_351 = arith.index_cast %get3A_350 : i32 to index
      %get3A_352 = arith.index_cast %mul3A_38 : i32 to index
      %get3A_353 = tpu.vector_load %arg9[%get3A_351, %get3A_352] {strides = array<i32>} : memref<32x640xi32, #tpu.memory_space<vmem>>, vector<16xi32>,
      %gt3A_354 = arith.constant 0 : i32
      %gt3A_355 = vector.broadcast %gt3A_354 : i32 to vector<16xi32>
      %gt3A_356 = arith.cmpi sgt, %get3A_353, %gt3A_355 : vector<16xi32>
      %get3A_357 = arith.constant 24 : i32
      %get3A_358 = arith.index_cast %get3A_357 : i32 to index
      %get3A_359 = arith.index_cast %mul3A_38 : i32 to index
      %get3A_360 = tpu.vector_load %arg8[%get3A_358, %get3A_359] {strides = array<i32>} : memref<32x640xi32, #tpu.memory_space<vmem>>, vector<16xi32>,
      %select_n3A_361 = arith.select %gt3A_356, %get3A_360, %select_n3A_348 : vector<16xi1>, vector<16xi32>
      %add3A_362 = arith.addi %add3A_349, %get3A_353 : vector<16xi32>
      %get3A_363 = arith.constant 25 : i32
      %get3A_364 = arith.index_cast %get3A_363 : i32 to index
      %get3A_365 = arith.index_cast %mul3A_38 : i32 to index
      %get3A_366 = tpu.vector_load %arg9[%get3A_364, %get3A_365] {strides = array<i32>} : memref<32x640xi32, #tpu.memory_space<vmem>>, vector<16xi32>,
      %gt3A_367 = arith.constant 0 : i32
      %gt3A_368 = vector.broadcast %gt3A_367 : i32 to vector<16xi32>
      %gt3A_369 = arith.cmpi sgt, %get3A_366, %gt3A_368 : vector<16xi32>
      %get3A_370 = arith.constant 25 : i32
      %get3A_371 = arith.index_cast %get3A_370 : i32 to index
      %get3A_372 = arith.index_cast %mul3A_38 : i32 to index
      %get3A_373 = tpu.vector_load %arg8[%get3A_371, %get3A_372] {strides = array<i32>} : memref<32x640xi32, #tpu.memory_space<vmem>>, vector<16xi32>,
      %select_n3A_374 = arith.select %gt3A_369, %get3A_373, %select_n3A_361 : vector<16xi1>, vector<16xi32>
      %add3A_375 = arith.addi %add3A_362, %get3A_366 : vector<16xi32>
      %get3A_376 = arith.constant 26 : i32
      %get3A_377 = arith.index_cast %get3A_376 : i32 to index
      %get3A_378 = arith.index_cast %mul3A_38 : i32 to index
      %get3A_379 = tpu.vector_load %arg9[%get3A_377, %get3A_378] {strides = array<i32>} : memref<32x640xi32, #tpu.memory_space<vmem>>, vector<16xi32>,
      %gt3A_380 = arith.constant 0 : i32
      %gt3A_381 = vector.broadcast %gt3A_380 : i32 to vector<16xi32>
      %gt3A_382 = arith.cmpi sgt, %get3A_379, %gt3A_381 : vector<16xi32>
      %get3A_383 = arith.constant 26 : i32
      %get3A_384 = arith.index_cast %get3A_383 : i32 to index
      %get3A_385 = arith.index_cast %mul3A_38 : i32 to index
      %get3A_386 = tpu.vector_load %arg8[%get3A_384, %get3A_385] {strides = array<i32>} : memref<32x640xi32, #tpu.memory_space<vmem>>, vector<16xi32>,
      %select_n3A_387 = arith.select %gt3A_382, %get3A_386, %select_n3A_374 : vector<16xi1>, vector<16xi32>
      %add3A_388 = arith.addi %add3A_375, %get3A_379 : vector<16xi32>
      %get3A_389 = arith.constant 27 : i32
      %get3A_390 = arith.index_cast %get3A_389 : i32 to index
      %get3A_391 = arith.index_cast %mul3A_38 : i32 to index
      %get3A_392 = tpu.vector_load %arg9[%get3A_390, %get3A_391] {strides = array<i32>} : memref<32x640xi32, #tpu.memory_space<vmem>>, vector<16xi32>,
      %gt3A_393 = arith.constant 0 : i32
      %gt3A_394 = vector.broadcast %gt3A_393 : i32 to vector<16xi32>
      %gt3A_395 = arith.cmpi sgt, %get3A_392, %gt3A_394 : vector<16xi32>
      %get3A_396 = arith.constant 27 : i32
      %get3A_397 = arith.index_cast %get3A_396 : i32 to index
      %get3A_398 = arith.index_cast %mul3A_38 : i32 to index
      %get3A_399 = tpu.vector_load %arg8[%get3A_397, %get3A_398] {strides = array<i32>} : memref<32x640xi32, #tpu.memory_space<vmem>>, vector<16xi32>,
      %select_n3A_400 = arith.select %gt3A_395, %get3A_399, %select_n3A_387 : vector<16xi1>, vector<16xi32>
      %add3A_401 = arith.addi %add3A_388, %get3A_392 : vector<16xi32>
      %get3A_402 = arith.constant 28 : i32
      %get3A_403 = arith.index_cast %get3A_402 : i32 to index
      %get3A_404 = arith.index_cast %mul3A_38 : i32 to index
      %get3A_405 = tpu.vector_load %arg9[%get3A_403, %get3A_404] {strides = array<i32>} : memref<32x640xi32, #tpu.memory_space<vmem>>, vector<16xi32>,
      %gt3A_406 = arith.constant 0 : i32
      %gt3A_407 = vector.broadcast %gt3A_406 : i32 to vector<16xi32>
      %gt3A_408 = arith.cmpi sgt, %get3A_405, %gt3A_407 : vector<16xi32>
      %get3A_409 = arith.constant 28 : i32
      %get3A_410 = arith.index_cast %get3A_409 : i32 to index
      %get3A_411 = arith.index_cast %mul3A_38 : i32 to index
      %get3A_412 = tpu.vector_load %arg8[%get3A_410, %get3A_411] {strides = array<i32>} : memref<32x640xi32, #tpu.memory_space<vmem>>, vector<16xi32>,
      %select_n3A_413 = arith.select %gt3A_408, %get3A_412, %select_n3A_400 : vector<16xi1>, vector<16xi32>
      %add3A_414 = arith.addi %add3A_401, %get3A_405 : vector<16xi32>
      %get3A_415 = arith.constant 29 : i32
      %get3A_416 = arith.index_cast %get3A_415 : i32 to index
      %get3A_417 = arith.index_cast %mul3A_38 : i32 to index
      %get3A_418 = tpu.vector_load %arg9[%get3A_416, %get3A_417] {strides = array<i32>} : memref<32x640xi32, #tpu.memory_space<vmem>>, vector<16xi32>,
      %gt3A_419 = arith.constant 0 : i32
      %gt3A_420 = vector.broadcast %gt3A_419 : i32 to vector<16xi32>
      %gt3A_421 = arith.cmpi sgt, %get3A_418, %gt3A_420 : vector<16xi32>
      %get3A_422 = arith.constant 29 : i32
      %get3A_423 = arith.index_cast %get3A_422 : i32 to index
      %get3A_424 = arith.index_cast %mul3A_38 : i32 to index
      %get3A_425 = tpu.vector_load %arg8[%get3A_423, %get3A_424] {strides = array<i32>} : memref<32x640xi32, #tpu.memory_space<vmem>>, vector<16xi32>,
      %select_n3A_426 = arith.select %gt3A_421, %get3A_425, %select_n3A_413 : vector<16xi1>, vector<16xi32>
      %add3A_427 = arith.addi %add3A_414, %get3A_418 : vector<16xi32>
      %get3A_428 = arith.constant 30 : i32
      %get3A_429 = arith.index_cast %get3A_428 : i32 to index
      %get3A_430 = arith.index_cast %mul3A_38 : i32 to index
      %get3A_431 = tpu.vector_load %arg9[%get3A_429, %get3A_430] {strides = array<i32>} : memref<32x640xi32, #tpu.memory_space<vmem>>, vector<16xi32>,
      %gt3A_432 = arith.constant 0 : i32
      %gt3A_433 = vector.broadcast %gt3A_432 : i32 to vector<16xi32>
      %gt3A_434 = arith.cmpi sgt, %get3A_431, %gt3A_433 : vector<16xi32>
      %get3A_435 = arith.constant 30 : i32
      %get3A_436 = arith.index_cast %get3A_435 : i32 to index
      %get3A_437 = arith.index_cast %mul3A_38 : i32 to index
      %get3A_438 = tpu.vector_load %arg8[%get3A_436, %get3A_437] {strides = array<i32>} : memref<32x640xi32, #tpu.memory_space<vmem>>, vector<16xi32>,
      %select_n3A_439 = arith.select %gt3A_434, %get3A_438, %select_n3A_426 : vector<16xi1>, vector<16xi32>
      %add3A_440 = arith.addi %add3A_427, %get3A_431 : vector<16xi32>
      %get3A_441 = arith.constant 31 : i32
      %get3A_442 = arith.index_cast %get3A_441 : i32 to index
      %get3A_443 = arith.index_cast %mul3A_38 : i32 to index
      %get3A_444 = tpu.vector_load %arg9[%get3A_442, %get3A_443] {strides = array<i32>} : memref<32x640xi32, #tpu.memory_space<vmem>>, vector<16xi32>,
      %gt3A_445 = arith.constant 0 : i32
      %gt3A_446 = vector.broadcast %gt3A_445 : i32 to vector<16xi32>
      %gt3A_447 = arith.cmpi sgt, %get3A_444, %gt3A_446 : vector<16xi32>
      %get3A_448 = arith.constant 31 : i32
      %get3A_449 = arith.index_cast %get3A_448 : i32 to index
      %get3A_450 = arith.index_cast %mul3A_38 : i32 to index
      %get3A_451 = tpu.vector_load %arg8[%get3A_449, %get3A_450] {strides = array<i32>} : memref<32x640xi32, #tpu.memory_space<vmem>>, vector<16xi32>,
      %select_n3A_452 = arith.select %gt3A_447, %get3A_451, %select_n3A_439 : vector<16xi1>, vector<16xi32>
      %add3A_453 = arith.addi %add3A_440, %get3A_444 : vector<16xi32>
      %shift_right_logical3A = arith.constant 14 : i32
      %shift_right_logical3A_454 = vector.broadcast %shift_right_logical3A : i32 to vector<16xi32>
      %shift_right_logical3A_455 = arith.shrui %select_n3A_452, %shift_right_logical3A_454 : vector<16xi32>
      %swap3A = arith.index_cast %mul3A_38 : i32 to index
      %swap3A_456 = tpu.vector_load %arg10[%swap3A] {strides = array<i32>} : memref<640xi32, #tpu.memory_space<vmem>>, vector<16xi32>,
      tpu.vector_store %arg10[%swap3A], %shift_right_logical3A_455 {strides = array<i32>} : memref<640xi32, #tpu.memory_space<vmem>>, vector<16xi32>,
      %and3A_457 = arith.constant 16383 : i32
      %and3A_458 = vector.broadcast %and3A_457 : i32 to vector<16xi32>
      %and3A_459 = arith.andi %select_n3A_452, %and3A_458 : vector<16xi32>
      %swap3A_460 = arith.index_cast %mul3A_38 : i32 to index
      %swap3A_461 = tpu.vector_load %arg11[%swap3A_460] {strides = array<i32>} : memref<640xi32, #tpu.memory_space<vmem>>, vector<16xi32>,
      tpu.vector_store %arg11[%swap3A_460], %and3A_459 {strides = array<i32>} : memref<640xi32, #tpu.memory_space<vmem>>, vector<16xi32>,
      %convert_element_type3A = arith.sitofp %add3A_453 : vector<16xi32> to vector<16xf32>
      %swap3A_462 = arith.index_cast %mul3A_38 : i32 to index
      %swap3A_463 = tpu.vector_load %arg12[%swap3A_462] {strides = array<i32>} : memref<640xf32, #tpu.memory_space<vmem>>, vector<16xf32>,
      tpu.vector_store %arg12[%swap3A_462], %convert_element_type3A {strides = array<i32>} : memref<640xf32, #tpu.memory_space<vmem>>, vector<16xf32>,
      %scan3A_464 = arith.constant 0 : i32
      scf.yield %scan3A_464 : i32
    }
    %scan3A_27 = arith.constant 40 : i32
    "tpu.region"() ({
      %run_scoped3A = tpu.sem_alloc : memref<!tpu.dma_semaphore, #tpu.memory_space<semaphore_mem>>
      %dma_start3A = tpu.memref_slice %arg7[%select_n3A, %sub3A_21] : memref<2x10240xf32, #tpu.memory_space<hbm>> -> memref<1x640xf32, #tpu.memory_space<hbm>>
      %dma_start3A_35 = tpu.memref_squeeze %dma_start3A : memref<1x640xf32, #tpu.memory_space<hbm>> -> memref<640xf32, #tpu.memory_space<hbm>>
      %dma_start3A_36 = tpu.memref_slice %arg7[%select_n3A, %sub3A_21] : memref<2x10240xf32, #tpu.memory_space<hbm>> -> memref<1x640xf32, #tpu.memory_space<hbm>>
      %dma_start3A_37 = tpu.memref_squeeze %dma_start3A_36 : memref<1x640xf32, #tpu.memory_space<hbm>> -> memref<640xf32, #tpu.memory_space<hbm>>
      tpu.enqueue_dma source(%arg12 : memref<640xf32, #tpu.memory_space<vmem>>) target(%dma_start3A_37 : memref<640xf32, #tpu.memory_space<hbm>>) target_semaphore(%run_scoped3A : memref<!tpu.dma_semaphore, #tpu.memory_space<semaphore_mem>>)
      %dma_wait3A = tpu.memref_slice %arg7[%select_n3A, %sub3A_21] : memref<2x10240xf32, #tpu.memory_space<hbm>> -> memref<1x640xf32, #tpu.memory_space<hbm>>
      %dma_wait3A_38 = tpu.memref_squeeze %dma_wait3A : memref<1x640xf32, #tpu.memory_space<hbm>> -> memref<640xf32, #tpu.memory_space<hbm>>
      %dma_wait3A_39 = tpu.memref_slice %arg7[%select_n3A, %sub3A_21] : memref<2x10240xf32, #tpu.memory_space<hbm>> -> memref<1x640xf32, #tpu.memory_space<hbm>>
      %dma_wait3A_40 = tpu.memref_squeeze %dma_wait3A_39 : memref<1x640xf32, #tpu.memory_space<hbm>> -> memref<640xf32, #tpu.memory_space<hbm>>
      tpu.wait_dma2 semaphore(%run_scoped3A : memref<!tpu.dma_semaphore, #tpu.memory_space<semaphore_mem>>) src(%arg12 : memref<640xf32, #tpu.memory_space<vmem>>) dst(%dma_wait3A_40 : memref<640xf32, #tpu.memory_space<hbm>>)
      tpu.yield
    }) : () -> ()
    %scan3A_28 = arith.constant 0 : i32
    %scan3A_29 = arith.constant 0 : i32
    %scan3A_30 = arith.constant 5 : i32
    %scan3A_31 = arith.addi %scan3A_29, %scan3A_30 : i32
    %scan3A_32 = arith.constant 1 : i32
    %scan3A_33 = scf.for %scan3A_35 = %scan3A_29 to %scan3A_31 step %scan3A_32 iter_args(%scan3A_36 = %scan3A_28) -> (i32)  : i32 {
      %mul3A_37 = arith.constant 128 : i32
      %mul3A_38 = arith.muli %scan3A_35, %mul3A_37 : i32
      %dma_start3A = tpu.memref_slice %arg10[%mul3A_38] : memref<640xi32, #tpu.memory_space<vmem>> -> memref<128xi32, #tpu.memory_space<vmem>>
      %dma_start3A_39 = arith.constant 0 : i32
      %dma_start3A_40 = arith.constant 0 : i32
      %dma_start3A_41 = tpu.memref_slice %arg4[%dma_start3A_39, %dma_start3A_40] : memref<10000x128xf32, #tpu.memory_space<hbm>> -> memref<10000x128xf32, #tpu.memory_space<hbm>>
      tpu.enqueue_indirect_dma source(%dma_start3A_41 : memref<10000x128xf32, #tpu.memory_space<hbm>>) target(%arg13 : memref<128x128xf32, #tpu.memory_space<vmem>>) offsets(%dma_start3A : memref<128xi32, #tpu.memory_space<vmem>>) semaphore(%arg15 : memref<!tpu.dma_semaphore, #tpu.memory_space<semaphore_mem>>)
      %dma_start3A_42 = tpu.memref_slice %arg11[%mul3A_38] : memref<640xi32, #tpu.memory_space<vmem>> -> memref<128xi32, #tpu.memory_space<vmem>>
      %dma_start3A_43 = arith.constant 0 : i32
      %dma_start3A_44 = arith.constant 0 : i32
      %dma_start3A_45 = tpu.memref_slice %arg5[%dma_start3A_43, %dma_start3A_44] : memref<10001x128xf32, #tpu.memory_space<hbm>> -> memref<10001x128xf32, #tpu.memory_space<hbm>>
      tpu.enqueue_indirect_dma source(%dma_start3A_45 : memref<10001x128xf32, #tpu.memory_space<hbm>>) target(%arg14 : memref<128x128xf32, #tpu.memory_space<vmem>>) offsets(%dma_start3A_42 : memref<128xi32, #tpu.memory_space<vmem>>) semaphore(%arg16 : memref<!tpu.dma_semaphore, #tpu.memory_space<semaphore_mem>>)
      %dma_wait3A = tpu.memref_slice %arg10[%mul3A_38] : memref<640xi32, #tpu.memory_space<vmem>> -> memref<128xi32, #tpu.memory_space<vmem>>
      %dma_wait3A_46 = arith.constant 0 : i32
      %dma_wait3A_47 = arith.constant 0 : i32
      %dma_wait3A_48 = tpu.memref_slice %arg4[%dma_wait3A_46, %dma_wait3A_47] : memref<10000x128xf32, #tpu.memory_space<hbm>> -> memref<10000x128xf32, #tpu.memory_space<hbm>>
      tpu.wait_indirect_dma semaphore(%arg15 : memref<!tpu.dma_semaphore, #tpu.memory_space<semaphore_mem>>) src(%dma_wait3A_48 : memref<10000x128xf32, #tpu.memory_space<hbm>>) dst(%arg13 : memref<128x128xf32, #tpu.memory_space<vmem>>)
      %dma_wait3A_49 = tpu.memref_slice %arg11[%mul3A_38] : memref<640xi32, #tpu.memory_space<vmem>> -> memref<128xi32, #tpu.memory_space<vmem>>
      %dma_wait3A_50 = arith.constant 0 : i32
      %dma_wait3A_51 = arith.constant 0 : i32
      %dma_wait3A_52 = tpu.memref_slice %arg5[%dma_wait3A_50, %dma_wait3A_51] : memref<10001x128xf32, #tpu.memory_space<hbm>> -> memref<10001x128xf32, #tpu.memory_space<hbm>>
      tpu.wait_indirect_dma semaphore(%arg16 : memref<!tpu.dma_semaphore, #tpu.memory_space<semaphore_mem>>) src(%dma_wait3A_52 : memref<10001x128xf32, #tpu.memory_space<hbm>>) dst(%arg14 : memref<128x128xf32, #tpu.memory_space<vmem>>)
      %scan3A_53 = arith.constant 0 : i32
      %scan3A_54 = arith.constant 0 : i32
      %scan3A_55 = arith.constant 128 : i32
      %scan3A_56 = arith.addi %scan3A_54, %scan3A_55 : i32
      %scan3A_57 = arith.constant 1 : i32
      %scan3A_58 = scf.for %scan3A_62 = %scan3A_54 to %scan3A_56 step %scan3A_57 iter_args(%scan3A_63 = %scan3A_53) -> (i32)  : i32 {
        %get3A = arith.index_cast %scan3A_62 : i32 to index
        %get3A_64 = arith.constant 0 : index
        %get3A_65 = tpu.vector_load %arg13[%get3A, %get3A_64] {strides = array<i32>} : memref<128x128xf32, #tpu.memory_space<vmem>>, vector<16xf32>,
        %get3A_66 = arith.index_cast %scan3A_62 : i32 to index
        %get3A_67 = arith.constant 0 : index
        %get3A_68 = tpu.vector_load %arg14[%get3A_66, %get3A_67] {strides = array<i32>} : memref<128x128xf32, #tpu.memory_space<vmem>>, vector<16xf32>,
        %add3A_69 = arith.addf %get3A_65, %get3A_68 : vector<16xf32>
        %swap3A = arith.index_cast %scan3A_62 : i32 to index
        %swap3A_70 = arith.constant 0 : index
        %swap3A_71 = tpu.vector_load %arg13[%swap3A, %swap3A_70] {strides = array<i32>} : memref<128x128xf32, #tpu.memory_space<vmem>>, vector<16xf32>,
        tpu.vector_store %arg13[%swap3A, %swap3A_70], %add3A_69 {strides = array<i32>} : memref<128x128xf32, #tpu.memory_space<vmem>>, vector<16xf32>,
        %get3A_72 = arith.index_cast %scan3A_62 : i32 to index
        %get3A_73 = arith.constant 16 : index
        %get3A_74 = tpu.vector_load %arg13[%get3A_72, %get3A_73] {strides = array<i32>} : memref<128x128xf32, #tpu.memory_space<vmem>>, vector<16xf32>,
        %get3A_75 = arith.index_cast %scan3A_62 : i32 to index
        %get3A_76 = arith.constant 16 : index
        %get3A_77 = tpu.vector_load %arg14[%get3A_75, %get3A_76] {strides = array<i32>} : memref<128x128xf32, #tpu.memory_space<vmem>>, vector<16xf32>,
        %add3A_78 = arith.addf %get3A_74, %get3A_77 : vector<16xf32>
        %swap3A_79 = arith.index_cast %scan3A_62 : i32 to index
        %swap3A_80 = arith.constant 16 : index
        %swap3A_81 = tpu.vector_load %arg13[%swap3A_79, %swap3A_80] {strides = array<i32>} : memref<128x128xf32, #tpu.memory_space<vmem>>, vector<16xf32>,
        tpu.vector_store %arg13[%swap3A_79, %swap3A_80], %add3A_78 {strides = array<i32>} : memref<128x128xf32, #tpu.memory_space<vmem>>, vector<16xf32>,
        %get3A_82 = arith.index_cast %scan3A_62 : i32 to index
        %get3A_83 = arith.constant 32 : index
        %get3A_84 = tpu.vector_load %arg13[%get3A_82, %get3A_83] {strides = array<i32>} : memref<128x128xf32, #tpu.memory_space<vmem>>, vector<16xf32>,
        %get3A_85 = arith.index_cast %scan3A_62 : i32 to index
        %get3A_86 = arith.constant 32 : index
        %get3A_87 = tpu.vector_load %arg14[%get3A_85, %get3A_86] {strides = array<i32>} : memref<128x128xf32, #tpu.memory_space<vmem>>, vector<16xf32>,
        %add3A_88 = arith.addf %get3A_84, %get3A_87 : vector<16xf32>
        %swap3A_89 = arith.index_cast %scan3A_62 : i32 to index
        %swap3A_90 = arith.constant 32 : index
        %swap3A_91 = tpu.vector_load %arg13[%swap3A_89, %swap3A_90] {strides = array<i32>} : memref<128x128xf32, #tpu.memory_space<vmem>>, vector<16xf32>,
        tpu.vector_store %arg13[%swap3A_89, %swap3A_90], %add3A_88 {strides = array<i32>} : memref<128x128xf32, #tpu.memory_space<vmem>>, vector<16xf32>,
        %get3A_92 = arith.index_cast %scan3A_62 : i32 to index
        %get3A_93 = arith.constant 48 : index
        %get3A_94 = tpu.vector_load %arg13[%get3A_92, %get3A_93] {strides = array<i32>} : memref<128x128xf32, #tpu.memory_space<vmem>>, vector<16xf32>,
        %get3A_95 = arith.index_cast %scan3A_62 : i32 to index
        %get3A_96 = arith.constant 48 : index
        %get3A_97 = tpu.vector_load %arg14[%get3A_95, %get3A_96] {strides = array<i32>} : memref<128x128xf32, #tpu.memory_space<vmem>>, vector<16xf32>,
        %add3A_98 = arith.addf %get3A_94, %get3A_97 : vector<16xf32>
        %swap3A_99 = arith.index_cast %scan3A_62 : i32 to index
        %swap3A_100 = arith.constant 48 : index
        %swap3A_101 = tpu.vector_load %arg13[%swap3A_99, %swap3A_100] {strides = array<i32>} : memref<128x128xf32, #tpu.memory_space<vmem>>, vector<16xf32>,
        tpu.vector_store %arg13[%swap3A_99, %swap3A_100], %add3A_98 {strides = array<i32>} : memref<128x128xf32, #tpu.memory_space<vmem>>, vector<16xf32>,
        %get3A_102 = arith.index_cast %scan3A_62 : i32 to index
        %get3A_103 = arith.constant 64 : index
        %get3A_104 = tpu.vector_load %arg13[%get3A_102, %get3A_103] {strides = array<i32>} : memref<128x128xf32, #tpu.memory_space<vmem>>, vector<16xf32>,
        %get3A_105 = arith.index_cast %scan3A_62 : i32 to index
        %get3A_106 = arith.constant 64 : index
        %get3A_107 = tpu.vector_load %arg14[%get3A_105, %get3A_106] {strides = array<i32>} : memref<128x128xf32, #tpu.memory_space<vmem>>, vector<16xf32>,
        %add3A_108 = arith.addf %get3A_104, %get3A_107 : vector<16xf32>
        %swap3A_109 = arith.index_cast %scan3A_62 : i32 to index
        %swap3A_110 = arith.constant 64 : index
        %swap3A_111 = tpu.vector_load %arg13[%swap3A_109, %swap3A_110] {strides = array<i32>} : memref<128x128xf32, #tpu.memory_space<vmem>>, vector<16xf32>,
        tpu.vector_store %arg13[%swap3A_109, %swap3A_110], %add3A_108 {strides = array<i32>} : memref<128x128xf32, #tpu.memory_space<vmem>>, vector<16xf32>,
        %get3A_112 = arith.index_cast %scan3A_62 : i32 to index
        %get3A_113 = arith.constant 80 : index
        %get3A_114 = tpu.vector_load %arg13[%get3A_112, %get3A_113] {strides = array<i32>} : memref<128x128xf32, #tpu.memory_space<vmem>>, vector<16xf32>,
        %get3A_115 = arith.index_cast %scan3A_62 : i32 to index
        %get3A_116 = arith.constant 80 : index
        %get3A_117 = tpu.vector_load %arg14[%get3A_115, %get3A_116] {strides = array<i32>} : memref<128x128xf32, #tpu.memory_space<vmem>>, vector<16xf32>,
        %add3A_118 = arith.addf %get3A_114, %get3A_117 : vector<16xf32>
        %swap3A_119 = arith.index_cast %scan3A_62 : i32 to index
        %swap3A_120 = arith.constant 80 : index
        %swap3A_121 = tpu.vector_load %arg13[%swap3A_119, %swap3A_120] {strides = array<i32>} : memref<128x128xf32, #tpu.memory_space<vmem>>, vector<16xf32>,
        tpu.vector_store %arg13[%swap3A_119, %swap3A_120], %add3A_118 {strides = array<i32>} : memref<128x128xf32, #tpu.memory_space<vmem>>, vector<16xf32>,
        %get3A_122 = arith.index_cast %scan3A_62 : i32 to index
        %get3A_123 = arith.constant 96 : index
        %get3A_124 = tpu.vector_load %arg13[%get3A_122, %get3A_123] {strides = array<i32>} : memref<128x128xf32, #tpu.memory_space<vmem>>, vector<16xf32>,
        %get3A_125 = arith.index_cast %scan3A_62 : i32 to index
        %get3A_126 = arith.constant 96 : index
        %get3A_127 = tpu.vector_load %arg14[%get3A_125, %get3A_126] {strides = array<i32>} : memref<128x128xf32, #tpu.memory_space<vmem>>, vector<16xf32>,
        %add3A_128 = arith.addf %get3A_124, %get3A_127 : vector<16xf32>
        %swap3A_129 = arith.index_cast %scan3A_62 : i32 to index
        %swap3A_130 = arith.constant 96 : index
        %swap3A_131 = tpu.vector_load %arg13[%swap3A_129, %swap3A_130] {strides = array<i32>} : memref<128x128xf32, #tpu.memory_space<vmem>>, vector<16xf32>,
        tpu.vector_store %arg13[%swap3A_129, %swap3A_130], %add3A_128 {strides = array<i32>} : memref<128x128xf32, #tpu.memory_space<vmem>>, vector<16xf32>,
        %get3A_132 = arith.index_cast %scan3A_62 : i32 to index
        %get3A_133 = arith.constant 112 : index
        %get3A_134 = tpu.vector_load %arg13[%get3A_132, %get3A_133] {strides = array<i32>} : memref<128x128xf32, #tpu.memory_space<vmem>>, vector<16xf32>,
        %get3A_135 = arith.index_cast %scan3A_62 : i32 to index
        %get3A_136 = arith.constant 112 : index
        %get3A_137 = tpu.vector_load %arg14[%get3A_135, %get3A_136] {strides = array<i32>} : memref<128x128xf32, #tpu.memory_space<vmem>>, vector<16xf32>,
        %add3A_138 = arith.addf %get3A_134, %get3A_137 : vector<16xf32>
        %swap3A_139 = arith.index_cast %scan3A_62 : i32 to index
        %swap3A_140 = arith.constant 112 : index
        %swap3A_141 = tpu.vector_load %arg13[%swap3A_139, %swap3A_140] {strides = array<i32>} : memref<128x128xf32, #tpu.memory_space<vmem>>, vector<16xf32>,
        tpu.vector_store %arg13[%swap3A_139, %swap3A_140], %add3A_138 {strides = array<i32>} : memref<128x128xf32, #tpu.memory_space<vmem>>, vector<16xf32>,
        %scan3A_142 = arith.constant 0 : i32
        scf.yield %scan3A_142 : i32
      }
      %scan3A_59 = arith.constant 128 : i32
      %add3A_60 = arith.addi %sub3A_21, %mul3A_38 : i32
      "tpu.region"() ({
        %run_scoped3A = tpu.sem_alloc : memref<!tpu.dma_semaphore, #tpu.memory_space<semaphore_mem>>
        %dma_start3A_62 = arith.constant 0 : i32
        %dma_start3A_63 = tpu.memref_slice %arg6[%select_n3A, %add3A_60, %dma_start3A_62] : memref<2x10240x128xf32, #tpu.memory_space<hbm>> -> memref<1x128x128xf32, #tpu.memory_space<hbm>>
        %dma_start3A_64 = tpu.memref_squeeze %dma_start3A_63 : memref<1x128x128xf32, #tpu.memory_space<hbm>> -> memref<128x128xf32, #tpu.memory_space<hbm>>
        %dma_start3A_65 = arith.constant 0 : i32
        %dma_start3A_66 = tpu.memref_slice %arg6[%select_n3A, %add3A_60, %dma_start3A_65] : memref<2x10240x128xf32, #tpu.memory_space<hbm>> -> memref<1x128x128xf32, #tpu.memory_space<hbm>>
        %dma_start3A_67 = tpu.memref_squeeze %dma_start3A_66 : memref<1x128x128xf32, #tpu.memory_space<hbm>> -> memref<128x128xf32, #tpu.memory_space<hbm>>
        tpu.enqueue_dma source(%arg13 : memref<128x128xf32, #tpu.memory_space<vmem>>) target(%dma_start3A_67 : memref<128x128xf32, #tpu.memory_space<hbm>>) target_semaphore(%run_scoped3A : memref<!tpu.dma_semaphore, #tpu.memory_space<semaphore_mem>>)
        %dma_wait3A_68 = arith.constant 0 : i32
        %dma_wait3A_69 = tpu.memref_slice %arg6[%select_n3A, %add3A_60, %dma_wait3A_68] : memref<2x10240x128xf32, #tpu.memory_space<hbm>> -> memref<1x128x128xf32, #tpu.memory_space<hbm>>
        %dma_wait3A_70 = tpu.memref_squeeze %dma_wait3A_69 : memref<1x128x128xf32, #tpu.memory_space<hbm>> -> memref<128x128xf32, #tpu.memory_space<hbm>>
        %dma_wait3A_71 = arith.constant 0 : i32
        %dma_wait3A_72 = tpu.memref_slice %arg6[%select_n3A, %add3A_60, %dma_wait3A_71] : memref<2x10240x128xf32, #tpu.memory_space<hbm>> -> memref<1x128x128xf32, #tpu.memory_space<hbm>>
        %dma_wait3A_73 = tpu.memref_squeeze %dma_wait3A_72 : memref<1x128x128xf32, #tpu.memory_space<hbm>> -> memref<128x128xf32, #tpu.memory_space<hbm>>
        tpu.wait_dma2 semaphore(%run_scoped3A : memref<!tpu.dma_semaphore, #tpu.memory_space<semaphore_mem>>) src(%arg13 : memref<128x128xf32, #tpu.memory_space<vmem>>) dst(%dma_wait3A_73 : memref<128x128xf32, #tpu.memory_space<hbm>>)
        tpu.yield
      }) : () -> ()
      %scan3A_61 = arith.constant 0 : i32
      scf.yield %scan3A_61 : i32
    }
    %scan3A_34 = arith.constant 5 : i32
    return
  }
}

module attributes {stable_mosaic.version = 14 : i64} {
  func.func @_tc2_body(%arg0: i32, %arg1: memref<1000x128xf32, #tpu.memory_space<vmem>>, %arg2: memref<1x1000x128xf32, #tpu.memory_space<vmem>>, %arg3: memref<1x1000x128xf32, #tpu.memory_space<vmem>>, %arg4: memref<1000x1xf32, #tpu.memory_space<vmem>>, %arg5: memref<1000x1xf32, #tpu.memory_space<vmem>>, %arg6: memref<128x128xf32, #tpu.memory_space<vmem>>, %arg7: memref<128x128xf32, #tpu.memory_space<vmem>>, %arg8: memref<1000x128xf32, #tpu.memory_space<vmem>>) attributes {dimension_semantics = [#tpu.dimension_semantics<arbitrary>], iteration_bounds = array<i64: 10>, scalar_prefetch = 0 : i64, scratch_operands = 0 : i64, tpu.core_type = #tpu.core_type<tc>, window_params = [{transform_indices = @transform_0, window_bounds = array<i64: 1000, 128>}, {transform_indices = @transform_1, window_bounds = array<i64: 1, 1000, 128>}, {transform_indices = @transform_2, window_bounds = array<i64: 1, 1000, 128>}, {transform_indices = @transform_3, window_bounds = array<i64: 1000, 1>}, {transform_indices = @transform_4, window_bounds = array<i64: 1000, 1>}, {pipeline_mode = #tpu.pipeline_mode<synchronous>, transform_indices = @transform_5, window_bounds = array<i64: 128, 128>}, {pipeline_mode = #tpu.pipeline_mode<synchronous>, transform_indices = @transform_6, window_bounds = array<i64: 128, 128>}, {transform_indices = @transform_7, window_bounds = array<i64: 1000, 128>}]} {
    %get3A = arith.constant 0 : index
    %get3A_0 = arith.constant 0 : index
    %get3A_1 = vector.load %arg1[%get3A, %get3A_0] : memref<1000x128xf32, #tpu.memory_space<vmem>>, vector<1000x128xf32>
    %get3A_2 = arith.constant 0 : index
    %get3A_3 = arith.constant 0 : index
    %get3A_4 = vector.load %arg4[%get3A_2, %get3A_3] : memref<1000x1xf32, #tpu.memory_space<vmem>>, vector<1000x1xf32>
    %get3A_5 = arith.constant 0 : index
    %get3A_6 = arith.constant 0 : index
    %get3A_7 = arith.constant 0 : index
    %get3A_8 = vector.load %arg2[%get3A_5, %get3A_6, %get3A_7] : memref<1x1000x128xf32, #tpu.memory_space<vmem>>, vector<1x1000x128xf32>
    %get3A_9 = vector.shape_cast %get3A_8 : vector<1x1000x128xf32> to vector<1000x128xf32>
    %get3A_10 = arith.constant 0 : index
    %get3A_11 = arith.constant 0 : index
    %get3A_12 = vector.load %arg6[%get3A_10, %get3A_11] : memref<128x128xf32, #tpu.memory_space<vmem>>, vector<128x128xf32>
    %dot_general3A = arith.constant dense<0.000000e+00> : vector<1000x128xf32>
    %dot_general3A_13 = tpu.matmul %get3A_9, %get3A_12, %dot_general3A {dimension_numbers = #tpu.dot_dimension_numbers<[1], [1], [0], [0], [0, 0, 1, 0], [], []>, transpose_lhs_hint = false} : vector<1000x128xf32>, vector<128x128xf32>, vector<1000x128xf32> -> vector<1000x128xf32>
    %mul3A = vector.broadcast %get3A_4 : vector<1000x1xf32> to vector<1000x128xf32>
    %mul3A_14 = arith.mulf %mul3A, %dot_general3A_13 : vector<1000x128xf32>
    %add3A = arith.addf %get3A_1, %mul3A_14 : vector<1000x128xf32>
    %get3A_15 = arith.constant 0 : index
    %get3A_16 = arith.constant 0 : index
    %get3A_17 = vector.load %arg5[%get3A_15, %get3A_16] : memref<1000x1xf32, #tpu.memory_space<vmem>>, vector<1000x1xf32>
    %get3A_18 = arith.constant 0 : index
    %get3A_19 = arith.constant 0 : index
    %get3A_20 = arith.constant 0 : index
    %get3A_21 = vector.load %arg3[%get3A_18, %get3A_19, %get3A_20] : memref<1x1000x128xf32, #tpu.memory_space<vmem>>, vector<1x1000x128xf32>
    %get3A_22 = vector.shape_cast %get3A_21 : vector<1x1000x128xf32> to vector<1000x128xf32>
    %get3A_23 = arith.constant 0 : index
    %get3A_24 = arith.constant 0 : index
    %get3A_25 = vector.load %arg7[%get3A_23, %get3A_24] : memref<128x128xf32, #tpu.memory_space<vmem>>, vector<128x128xf32>
    %dot_general3A_26 = arith.constant dense<0.000000e+00> : vector<1000x128xf32>
    %dot_general3A_27 = tpu.matmul %get3A_22, %get3A_25, %dot_general3A_26 {dimension_numbers = #tpu.dot_dimension_numbers<[1], [1], [0], [0], [0, 0, 1, 0], [], []>, transpose_lhs_hint = false} : vector<1000x128xf32>, vector<128x128xf32>, vector<1000x128xf32> -> vector<1000x128xf32>
    %mul3A_28 = vector.broadcast %get3A_17 : vector<1000x1xf32> to vector<1000x128xf32>
    %mul3A_29 = arith.mulf %mul3A_28, %dot_general3A_27 : vector<1000x128xf32>
    %add3A_30 = arith.addf %add3A, %mul3A_29 : vector<1000x128xf32>
    %swap3A = arith.constant 0 : index
    %swap3A_31 = arith.constant 0 : index
    %swap3A_32 = vector.load %arg8[%swap3A, %swap3A_31] : memref<1000x128xf32, #tpu.memory_space<vmem>>, vector<1000x128xf32>
    tpu.vector_store %arg8[%swap3A, %swap3A_31], %add3A_30 {strides = array<i32>} : memref<1000x128xf32, #tpu.memory_space<vmem>>, vector<1000x128xf32>,
    return
  }
  func.func @transform_0(%arg0: i32) -> (i32, i32) {
    %c0_i32 = arith.constant 0 : i32
    %c0_i32_0 = arith.constant 0 : i32
    return %arg0, %c0_i32 : i32, i32
  }
  func.func @transform_1(%arg0: i32) -> (i32, i32, i32) {
    %c0_i32 = arith.constant 0 : i32
    %c0_i32_0 = arith.constant 0 : i32
    %c0_i32_1 = arith.constant 0 : i32
    return %c0_i32, %arg0, %c0_i32_0 : i32, i32, i32
  }
  func.func @transform_2(%arg0: i32) -> (i32, i32, i32) {
    %c1_i32 = arith.constant 1 : i32
    %c0_i32 = arith.constant 0 : i32
    %c0_i32_0 = arith.constant 0 : i32
    return %c1_i32, %arg0, %c0_i32 : i32, i32, i32
  }
  func.func @transform_3(%arg0: i32) -> (i32, i32) {
    %c0_i32 = arith.constant 0 : i32
    %c0_i32_0 = arith.constant 0 : i32
    return %arg0, %c0_i32 : i32, i32
  }
  func.func @transform_4(%arg0: i32) -> (i32, i32) {
    %c0_i32 = arith.constant 0 : i32
    %c0_i32_0 = arith.constant 0 : i32
    return %arg0, %c0_i32 : i32, i32
  }
  func.func @transform_5(%arg0: i32) -> (i32, i32) {
    %c0_i32 = arith.constant 0 : i32
    %c0_i32_0 = arith.constant 0 : i32
    %c0_i32_1 = arith.constant 0 : i32
    return %c0_i32, %c0_i32_0 : i32, i32
  }
  func.func @transform_6(%arg0: i32) -> (i32, i32) {
    %c0_i32 = arith.constant 0 : i32
    %c0_i32_0 = arith.constant 0 : i32
    %c0_i32_1 = arith.constant 0 : i32
    return %c0_i32, %c0_i32_0 : i32, i32
  }
  func.func @transform_7(%arg0: i32) -> (i32, i32) {
    %c0_i32 = arith.constant 0 : i32
    %c0_i32_0 = arith.constant 0 : i32
    return %arg0, %c0_i32 : i32, i32
  }
}

module attributes {stable_mosaic.version = 14 : i64} {
  func.func @_tc1_body(%arg0: i32, %arg1: memref<1000x128xf32, #tpu.memory_space<vmem>>, %arg2: memref<1x128xf32, #tpu.memory_space<vmem>>, %arg3: memref<1008x128xf32, #tpu.memory_space<vmem>>, %arg4: memref<128x128xf32, #tpu.memory_space<vmem>>, %arg5: memref<128x128xf32, #tpu.memory_space<vmem>>, %arg6: memref<1000x128xf32, #tpu.memory_space<vmem>>, %arg7: memref<1008x128xf32, #tpu.memory_space<vmem>>) attributes {dimension_semantics = [#tpu.dimension_semantics<arbitrary>], iteration_bounds = array<i64: 10>, scalar_prefetch = 0 : i64, scratch_operands = 0 : i64, tpu.core_type = #tpu.core_type<tc>, window_params = [{transform_indices = @transform_0, window_bounds = array<i64: 1000, 128>}, {pipeline_mode = #tpu.pipeline_mode<synchronous>, transform_indices = @transform_1, window_bounds = array<i64: 1, 128>}, {transform_indices = @transform_2, window_bounds = array<i64: 1008, 128>}, {pipeline_mode = #tpu.pipeline_mode<synchronous>, transform_indices = @transform_3, window_bounds = array<i64: 128, 128>}, {pipeline_mode = #tpu.pipeline_mode<synchronous>, transform_indices = @transform_4, window_bounds = array<i64: 128, 128>}, {transform_indices = @transform_5, window_bounds = array<i64: 1000, 128>}, {transform_indices = @transform_6, window_bounds = array<i64: 1008, 128>}]} {
    %get3A = arith.constant 0 : index
    %get3A_0 = arith.constant 0 : index
    %get3A_1 = vector.load %arg1[%get3A, %get3A_0] : memref<1000x128xf32, #tpu.memory_space<vmem>>, vector<1000x128xf32>
    %get3A_2 = arith.constant 0 : index
    %get3A_3 = arith.constant 0 : index
    %get3A_4 = vector.load %arg2[%get3A_2, %get3A_3] : memref<1x128xf32, #tpu.memory_space<vmem>>, vector<1x128xf32>
    %add3A = vector.broadcast %get3A_4 : vector<1x128xf32> to vector<1000x128xf32>
    %add3A_5 = arith.addf %get3A_1, %add3A : vector<1000x128xf32>
    %get3A_6 = arith.constant 0 : index
    %get3A_7 = arith.constant 0 : index
    %get3A_8 = vector.load %arg4[%get3A_6, %get3A_7] : memref<128x128xf32, #tpu.memory_space<vmem>>, vector<128x128xf32>
    %dot_general3A = arith.constant dense<0.000000e+00> : vector<1000x128xf32>
    %dot_general3A_9 = tpu.matmul %add3A_5, %get3A_8, %dot_general3A {dimension_numbers = #tpu.dot_dimension_numbers<[1], [1], [0], [0], [0, 0, 1, 0], [], []>, transpose_lhs_hint = false} : vector<1000x128xf32>, vector<128x128xf32>, vector<1000x128xf32> -> vector<1000x128xf32>
    %swap3A = arith.constant 0 : index
    %swap3A_10 = arith.constant 0 : index
    %swap3A_11 = vector.load %arg6[%swap3A, %swap3A_10] : memref<1000x128xf32, #tpu.memory_space<vmem>>, vector<1000x128xf32>
    tpu.vector_store %arg6[%swap3A, %swap3A_10], %dot_general3A_9 {strides = array<i32>} : memref<1000x128xf32, #tpu.memory_space<vmem>>, vector<1000x128xf32>,
    %get3A_12 = arith.constant 0 : index
    %get3A_13 = arith.constant 0 : index
    %get3A_14 = vector.load %arg3[%get3A_12, %get3A_13] : memref<1008x128xf32, #tpu.memory_space<vmem>>, vector<1008x128xf32>
    %get3A_15 = arith.constant 0 : index
    %get3A_16 = arith.constant 0 : index
    %get3A_17 = vector.load %arg5[%get3A_15, %get3A_16] : memref<128x128xf32, #tpu.memory_space<vmem>>, vector<128x128xf32>
    %dot_general3A_18 = arith.constant dense<0.000000e+00> : vector<1008x128xf32>
    %dot_general3A_19 = tpu.matmul %get3A_14, %get3A_17, %dot_general3A_18 {dimension_numbers = #tpu.dot_dimension_numbers<[1], [1], [0], [0], [0, 0, 1, 0], [], []>, transpose_lhs_hint = false} : vector<1008x128xf32>, vector<128x128xf32>, vector<1008x128xf32> -> vector<1008x128xf32>
    %swap3A_20 = arith.constant 0 : index
    %swap3A_21 = arith.constant 0 : index
    %swap3A_22 = vector.load %arg7[%swap3A_20, %swap3A_21] : memref<1008x128xf32, #tpu.memory_space<vmem>>, vector<1008x128xf32>
    tpu.vector_store %arg7[%swap3A_20, %swap3A_21], %dot_general3A_19 {strides = array<i32>} : memref<1008x128xf32, #tpu.memory_space<vmem>>, vector<1008x128xf32>,
    return
  }
  func.func @transform_0(%arg0: i32) -> (i32, i32) {
    %c0_i32 = arith.constant 0 : i32
    %c0_i32_0 = arith.constant 0 : i32
    return %arg0, %c0_i32 : i32, i32
  }
  func.func @transform_1(%arg0: i32) -> (i32, i32) {
    %c0_i32 = arith.constant 0 : i32
    %c0_i32_0 = arith.constant 0 : i32
    %c0_i32_1 = arith.constant 0 : i32
    return %c0_i32, %c0_i32_0 : i32, i32
  }
  func.func @transform_2(%arg0: i32) -> (i32, i32) {
    %c0_i32 = arith.constant 0 : i32
    %c0_i32_0 = arith.constant 0 : i32
    return %arg0, %c0_i32 : i32, i32
  }
  func.func @transform_3(%arg0: i32) -> (i32, i32) {
    %c0_i32 = arith.constant 0 : i32
    %c0_i32_0 = arith.constant 0 : i32
    %c0_i32_1 = arith.constant 0 : i32
    return %c0_i32, %c0_i32_0 : i32, i32
  }
  func.func @transform_4(%arg0: i32) -> (i32, i32) {
    %c0_i32 = arith.constant 0 : i32
    %c0_i32_0 = arith.constant 0 : i32
    %c0_i32_1 = arith.constant 0 : i32
    return %c0_i32, %c0_i32_0 : i32, i32
  }
  func.func @transform_5(%arg0: i32) -> (i32, i32) {
    %c0_i32 = arith.constant 0 : i32
    %c0_i32_0 = arith.constant 0 : i32
    return %arg0, %c0_i32 : i32, i32
  }
  func.func @transform_6(%arg0: i32) -> (i32, i32) {
    %c0_i32 = arith.constant 0 : i32
    %c0_i32_0 = arith.constant 0 : i32
    return %arg0, %c0_i32 : i32, i32
  }
}

</mosaic_0001>

<sc_bundles>
// kernel: kernel.6.cloned.1.call-start
scs
__scs_entry_jumppad:
0x0: {  	(pc) =	sbr.rel $0x88, $3  }
0x1: {  	(tag) =	ssettag $0x0;
	lr =	simm.s32 $0x1  }
0x2: {  	[smem:$0x3F9A] =	sst lr;
	_ =	strace $0xD0000000  }
0x3: {  	_ = 	snop  }
0x4: {  	_ = 	snop  }
0x5: {  	_ = 	snop  }
0x6: {  	_ = 	snop  }
0x7: {  	_ = 	snop  }
__scs_overlays_trampoline_lowered:
0x8: {  	[smem:$0x3FA9] =	sst s0  }
0x9: {  	[smem:$0x3FAA] =	sst s1  }
0xa: {  	[smem:$0x3FAB] =	sst s2  }
0xb: {  	[smem:$0x3FAC] =	sst s3  }
0xc: {  	[smem:$0x3FAD] =	sst s4  }
0xd: {  	[smem:$0x3FAE] =	sst s5  }
0xe: {  	[smem:$0x3FAF] =	sst s6  }
0xf: {  	[smem:$0x3FB0] =	sst s7  }
0x10: {  	[smem:$0x3FB1] =	sst s8  }
0x11: {  	[smem:$0x3FB2] =	sst s9;
	s0 =	simm.s32 @!p0 $0x0  }
0x12: {  	s1 =	sld [smem:$0x3F98];
	s0 =	simm.s32 @p0 $0x1  }
0x13: {  	[smem:$0x3FB3] =	sst s0;
	s0 =	simm.s32 @!p1 $0x0  }
0x14: {  	s2 =	sld [smem:$0x3F97];
	s0 =	simm.s32 @p1 $0x1  }
0x15: {  	[smem:$0x3FB4] =	sst s0;
	s0 =	simm.s32 @!p2 $0x0  }
0x16: {  	s3 =	sld [smem:$0x3FDB];
	s0 =	simm.s32 @p2 $0x1  }
0x17: {  	s4 =	simm.s32 $0x1BF5;
	[smem:$0x3FB6] =	sst s0  }
0x18: {  	s0 =	sld [smem:$0x3F99];
	_ =	swait.ge [sflag:s4], $0x0  }
0x19: {  	s7 =	sld [smem:$0x3F9A]  }
0x1a: {  	s8 =	sadd.s32 $0xFFFFE003, lr  }
0x1b: {  	s9 =	sadd.s32 $0xFFFFFEF7, lr;
	s5 =	simm.s32 $0xFFFFFFFF;
	p2 =	slt.u32 s8, $0xFFFFF086  }
0x1c: {  	p1 =	slt.u32 s9, $0xF7A;
	s5 =	simm.s32 @!p2 $0x0  }
0x1d: {  	s5 =	simm.s32 @p1 $0x1;
	p0 =	seq.s32 s7, s2  }
0x1e: {  	s7 =	smul.u32 @!p0 $0xF7A, s2;
	p2 =	seq.s32 @!p0 s5, $0x0  }
0x1f: {  	s9 =	smul.u32 $0xF7A, s1;
	s8 =	simm.s32 @!p0 $0x1BF5;
	p2 =	por !p2, p0  }
0x20: {  	[sflag:s8] =	ssyncset.s32 @!p0 $0xFFFFF086;
	s6 =	sadd.s32 @!p0 s3, s7;
	s7 =	simm.s32 @!p0 $0x108  }
0x21: {  	s3 =	sadd.s32 s3, s9;
	s6 =	sadd.s32 @!p0 $0x88, s6;
	s7 =	simm.s32 @p2 $0x1082  }
0x22: {  	[simem:s7], [sflag:s8] =	dma.local @!p0 [hbm:s6], $0xF7A  }
0x23: {  	s9 =	sor.u32 $0xD0000000, s2;
	s6 =	simm.s32 $0x108;
	_ =	swait.ge @!p0 [sflag:s8], $0x0  }
0x24: {  	s3 =	sadd.s32 $0x88, s3;
	s6 =	simm.s32 @!p1 $0x1082;
	[sflag:s4] =	ssyncset.s32 $0xFFFFF086  }
0x25: {  	[simem:s6], [sflag:s4] =	dma.local [hbm:s3], $0xF7A  }
0x26: {  	[smem:$0x3F9A] =	sst s1;
	(tag) =	ssettag s2;
	_ =	strace s9  }
0x27: {  	s1 =	sld [smem:$0x3FAA]  }
0x28: {  	s2 =	sld [smem:$0x3FAB]  }
0x29: {  	s4 =	sld [smem:$0x3FAD]  }
0x2a: {  	p0 =	seq.s32 s5, $0x0;
	s5 =	sld [smem:$0x3FAE]  }
0x2b: {  	s6 =	sld [smem:$0x3FAF]  }
0x2c: {  	s7 =	sld [smem:$0x3FB0]  }
0x2d: {  	s3 =	simm.s32 $0x108;
	s8 =	sld [smem:$0x3FB1]  }
0x2e: {  	s3 =	simm.s32 @!p0 $0x1082;
	s9 =	sld [smem:$0x3FB2]  }
0x2f: {  	lr =	sadd.s32 s0, s3;
	s0 =	sld [smem:$0x3FA9]  }
0x30: {  	s3 =	sld [smem:$0x3FAC]  }
0x31: {  	[smem:$0x3FB5] =	sst s10  }
0x32: {  	s10 =	sld [smem:$0x3FB3];
	_ =	sdelay $0x3  }
0x33: {  	p0 =	seq.s32 s10, $0x1;
	s10 =	sld [smem:$0x3FB5];
	_ =	sdelay $0x3  }
0x34: {  	[smem:$0x3FB5] =	sst s10  }
0x35: {  	s10 =	sld [smem:$0x3FB4];
	_ =	sdelay $0x3  }
0x36: {  	p1 =	seq.s32 s10, $0x1;
	s10 =	sld [smem:$0x3FB5];
	_ =	sdelay $0x3  }
0x37: {  	[smem:$0x3FB5] =	sst s10  }
0x38: {  	s10 =	sld [smem:$0x3FB6]  }
0x39: {  	_ = 	snop;
	(pc) =	sbr.ind lr, $3  }
0x3a: {  	_ = 	snop  }
0x3b: {  	_ = 	snop  }
0x3c: {  	p2 =	seq.s32 s10, $0x1;
	s10 =	sld [smem:$0x3FB5]  }
0x3d: {  	_ =	shalt  }
0x3e: {  	_ =	shalt  }
0x3f: {  	_ =	shalt  }
0x40: {  	_ =	shalt  }
0x41: {  	_ =	shalt  }
0x42: {  	_ =	shalt  }
0x43: {  	_ =	shalt  }
0x44: {  	_ =	shalt  }
0x45: {  	_ =	shalt  }
0x46: {  	_ =	shalt  }
0x47: {  	_ =	shalt  }
0x48: {  	_ =	shalt  }
0x49: {  	_ =	shalt  }
0x4a: {  	_ =	shalt  }
0x4b: {  	_ =	shalt  }
0x4c: {  	_ =	shalt  }
0x4d: {  	_ =	shalt  }
0x4e: {  	_ =	shalt  }
0x4f: {  	_ =	shalt  }
0x50: {  	_ =	shalt  }
0x51: {  	_ =	shalt  }
0x52: {  	_ =	shalt  }
0x53: {  	_ =	shalt  }
0x54: {  	_ =	shalt  }
0x55: {  	_ =	shalt  }
0x56: {  	_ =	shalt  }
0x57: {  	_ =	shalt  }
0x58: {  	_ =	shalt  }
0x59: {  	_ =	shalt  }
0x5a: {  	_ =	shalt  }
0x5b: {  	_ =	shalt  }
0x5c: {  	_ =	shalt  }
0x5d: {  	_ =	shalt  }
0x5e: {  	_ =	shalt  }
0x5f: {  	_ =	shalt  }
0x60: {  	_ =	shalt  }
0x61: {  	_ =	shalt  }
0x62: {  	_ =	shalt  }
0x63: {  	_ =	shalt  }
0x64: {  	_ =	shalt  }
0x65: {  	_ =	shalt  }
0x66: {  	_ =	shalt  }
0x67: {  	_ =	shalt  }
0x68: {  	_ =	shalt  }
0x69: {  	_ =	shalt  }
0x6a: {  	_ =	shalt  }
0x6b: {  	_ =	shalt  }
0x6c: {  	_ =	shalt  }
0x6d: {  	_ =	shalt  }
0x6e: {  	_ =	shalt  }
0x6f: {  	_ =	shalt  }
0x70: {  	_ =	shalt  }
0x71: {  	_ =	shalt  }
0x72: {  	_ =	shalt  }
0x73: {  	_ =	shalt  }
0x74: {  	_ =	shalt  }
0x75: {  	_ =	shalt  }
0x76: {  	_ =	shalt  }
0x77: {  	_ =	shalt  }
0x78: {  	_ =	shalt  }
0x79: {  	_ =	shalt  }
0x7a: {  	_ =	shalt  }
0x7b: {  	_ =	shalt  }
0x7c: {  	_ =	shalt  }
0x7d: {  	_ =	shalt  }
0x7e: {  	_ =	shalt  }
0x7f: {  	_ =	shalt  }
0x80: {  	_ =	shalt  }
0x81: {  	_ =	shalt  }
0x82: {  	_ =	shalt  }
0x83: {  	_ =	shalt  }
0x84: {  	_ =	shalt  }
0x85: {  	_ =	shalt  }
0x86: {  	_ =	shalt  }
0x87: {  	_ =	shalt  }
.Lfunc_end0:
.L_simem_size_0:
called_computation_lowered:
.L_overlay_start_0:
0x88: {  	s2 =	sld [smem:$0x3FD9]  }
0x89: {  	s3 =	sld [smem:$0x3FFE];
	_ =	sdelay $0x1  }
0x8a: {  	s1 =	srdreg.scid  }
0x8b: {  	s0 =	sand.u32 $0x1, s1  }
0x8c: {  	s14 =	sshll.u32 s0, $0xA;
	s2 =	sadd.s32 s3, s2  }
0x8d: {  	s2 =	sadd.s32 s2, s14  }
0x8e: {  	[smem:$0x3FC1] =	sst s2  }
0x8f: {  	_ = 	snop  }
0x90: {  	s2 =	sld [smem:$0x3FD0];
	_ =	sdelay $0x2  }
0x91: {  	s15 =	simm.s32 $0xA;
	s4 =	simm.s32 $0x10  }
0x92: {  	[smem:s4], [sflag:s15] =	dma.local [hbm:s2], $0x1  }
0x93: {  	_ =	swait.eq [sflag:s15], $0x1  }
0x94: {  	[sflag:s15] =	ssyncset.done $0x0  }
0x95: {  	s16 =	sld [smem:$0x10];
	[sflag:s15] =	ssyncadd.s32 $0xFFFFFFFF  }
0x96: {  	s17 =	sld [smem:$0x11];
	(tm) =	ssettm $0x1  }
0x97: {  	s18 =	sld [smem:$0x3FFB];
	_ =	sdelay $0x3  }
0x98: {  	_ =	strace s18  }
0x99: {  	s4 =	sld [smem:$0x3FFC];
	_ =	sdelay $0x3  }
0x9a: {  	_ =	strace s4  }
0x9b: {  	s4 =	sld [smem:$0x3FFD];
	_ =	sdelay $0x3  }
0x9c: {  	_ =	strace s4  }
0x9d: {  	_ =	strace $0x8FFFFFFF  }
0x9e: {  	s19 =	sld [smem:$0x3FDB];
	_ =	sdelay $0x1  }
0x9f: {  	s5 =	simm.s32 $_scs_section_size  }
0xa0: {  	s6 =	simm.s32 $_size__tile_overlayer_lowered;
	s7 =	simm.s32 $_tile_overlayer_lowered  }
0xa1: {  	s22 =	simm.s32 $0x1BFF;
	s21 =	sshll.u32 s7, $0x1;
	s4 =	sadd.s32 s5, s19  }
0xa2: {  	s8 =	simm.s32 $0x0;
	s20 =	sshll.u32 s6, $0x1;
	s6 =	sadd.s32 s21, s4  }
0xa3: {  	[timem:s8], [sflag:s22] =	dma.local [hbm:s6], s20  }
0xa4: {  	_ =	swait.ge [sflag:s22], s20  }
0xa5: {  	s5 =	ssub.s32 $0x0, s20;
	[sflag:s22] =	ssyncset.done $0x0  }
0xa6: {  	[sflag:s22] =	ssyncadd.s32 s5;
	_ =	sdelay $0x1  }
0xa7: {  	s23 =	simm.s32 $0x1B8B  }
0xa8: {  	_ =	swait.ge [sflag:s23], $0x1  }
0xa9: {  	[sflag:s23] =	ssyncset.done $0x0  }
0xaa: {  	s25 =	simm.s32 $0x1B8E;
	s24 =	sld [smem:$0x3FFE];
	[sflag:s23] =	ssyncadd.s32 $0xFFFFFFFF  }
0xab: {  	s26 =	simm.s32 $execute0_lowered;
	[smem:$0x3FD2] =	sst s25  }
0xac: {  	s6 =	sshll.u32 s26, $0x1;
	_ =	strace $0x80000046;
	[dreg:$0x1] =	wrdreg $0xFFFFFFFF  }
0xad: {  	s28 =	simm.s32 $_size_execute0_lowered;
	s4 =	sadd.s32 s4, s6;
	[dreg:$0x0] =	wrdreg $0x0  }
0xae: {  	s6 =	sshll.u32 s28, $0x1;
	[dreg:$0x2] =	wrdreg s4  }
0xaf: {  	[dreg:$0x3] =	wrdreg s6  }
0xb0: {  	[dreg:$0x4] =	wrdreg $0xC0  }
0xb1: {  	_ =	task [dreg:s8], $0x5FFFF  }
0xb2: {  	[dreg:$0x1] =	wrdreg $0xFFFFFFFF  }
0xb3: {  	[dreg:$0x0] =	wrdreg $0x60  }
0xb4: {  	[dreg:$0x2] =	wrdreg s24  }
0xb5: {  	[dreg:$0x3] =	wrdreg s17  }
0xb6: {  	[dreg:$0x4] =	wrdreg s16  }
0xb7: {  	[dreg:$0x5] =	wrdreg $0x9  }
0xb8: {  	_ =	task.clear_ibuf [dreg:s8], $0x6FFFF;
	_ =	strace $0x90000046  }
0xb9: {  	s29 =	simm.s32 $0x9;
	_ =	strace $0x80000048  }
0xba: {  	_ =	swait.ge [sflag:s29], $0x1  }
0xbb: {  	[sflag:s29] =	ssyncadd.s32 $0xFFFFFFFF  }
0xbc: {  	_ =	strace $0x90000048  }
0xbd: {  	_ =	sfence  }
0xbe: {  	s30 =	sld [smem:$0x0];
	_ =	sdelay $0x2  }
0xbf: {  	s31 =	sshll.u32 s1, $0xD;
	s1 =	sshrl.u32 s1, $0x2  }
0xc0: {  	s3 =	sand.u32 $0x4000, s31;
	s1 =	sadd.s32 s1, s30  }
0xc1: {  	s0 =	sor.u32 s3, s0;
	s1 =	sshll.u32 s1, $0x11  }
0xc2: {  	s0 =	sor.u32 s1, s0  }
0xc3: {  	s0 =	sadd.s32 $0x8F2B, s0  }
0xc4: {  	[sflag:s0] =	ssyncadd.remote.s32 $0x1  }
0xc5: {  	_ =	sfence.sel $0xFFFF  }
0xc6: {  	[dreg:$0x0] =	wrdreg $0xFFFFFFFF;
	(pc) =	sbr.abs _section_cstart, $3  }
0xc7: {  	[dreg:$0x1] =	wrdreg $0xFFFFFFFF  }
0xc8: {  	_ =	task.clear_ibuf [dreg:s8], $0x2FFFF;
	_ =	strace $0x9FFFFFFF  }
0xc9: {  	(tm) =	ssettm $0x7FFFFFFF  }
tec
execute0_lowered:
.L_overlay_start_1:
0x0: {  	(tag) =	ssettag $0x1  }
0x1: {  	s3 =	rddreg [dreg:$0x0]  }
0x2: {  	s1 =	srdreg.scid;
	s5 =	rddreg [dreg:$0x1]  }
0x3: {  	s0 =	stileid.u32;
	s7 =	rddreg [dreg:$0x2]  }
0x4: {  	s2 =	simm.s32 $0x0;
	s12 =	simm.s32 $0x7680;
	s13 =	simm.s32 $0xC680  }
0x5: {  	s14 =	simm.s32 $0x80;
	s15 =	simm.s32 $0x400;
	s16 =	simm.s32 $0x0  }
0x6: {  	s4 =	sand.u32 $0x1, s1;
	s28 =	sshll.u32 s0, $0x1;
	s1 =	rddreg [dreg:$0x3]  }
0x7: {  	s29 =	sshrl.u32 s0, $0x2;
	[smem:$0x7FF] =	sst s2;
	s6 =	sor.u32 s4, s28  }
0x8: {  	s8 =	smul.u32 $0x28000, s29;
	s4 =	ssub.s32 $0x2, s4;
	s9 =	sshll.u32 s6, $0x7  }
0x9: {  	s6 =	smul.u32 $0x4E2, s6;
	s31 =	sshrl.u32 s4, $0x1;
	s9 =	sand.u32 $0x380, s9  }
0xa: {  	_ =	strace $0x80000047;
	s11 =	ssub.s32 s4, s31;
	s8 =	sor.u32 s8, s9  }
0xb: {  	s30 =	sadd.s32 s6, s3;
	s5 =	sadd.s32 s5, s6;
	s8 =	sshrl.u32 s8, $0x3  }
0xc: {  	s9 =	simm.s32 $0x1;
	s4 =	sadd.s32 $0x1E00, s30;
	s10 =	sadd.s32 s8, s3  }
0xd: {  	s3 =	sadd.s32 $0xBC00, s30;
	s6 =	sadd.s32 s7, s8;
	s8 =	smax.u32 s11, $0x1  }
0xe: {  	v0 =	vimm.s32 $0x0;
	s11 =	simm.s32 $0x4F00;
	s7 =	sadd.s32 $0x15A00, s10;
	s10 =	simm.s32 $0x2780  }
.LBB2_1:
0xf: {  	[tilespmem:s2], [sflag:$0x1] =	stream.linear.gather [hbm4b:s3+s2], $0x2710, $0x38;
	[tilespmem:$0x11680] =	vst v63  }
0x10: {  	_ =	swait.ge [sflag:s9], $0x2710  }
0x11: {  	[sflag:s9] =	ssyncset.done $0x0  }
0x12: {  	[sflag:s9] =	ssyncadd.s32 $0xFFFFD8F0  }
0x13: {  	[tilespmem:s10], [sflag:$0x1] =	stream.linear.gather [hbm4b:s4+s2], $0x2710, $0x38;
	[tilespmem:$0x11680] =	vst v63  }
0x14: {  	_ =	swait.ge [sflag:s9], $0x2710  }
0x15: {  	[sflag:s9] =	ssyncset.done $0x0  }
0x16: {  	[sflag:s9] =	ssyncadd.s32 $0xFFFFD8F0  }
0x17: {  	[tilespmem:s11], [sflag:$0x1] =	stream.linear.gather [hbm4b:s5+s2], $0x2710, $0x38;
	[tilespmem:$0x11680] =	vst v63  }
0x18: {  	_ =	swait.ge [sflag:s9], $0x2710  }
0x19: {  	[sflag:s9] =	ssyncset.done $0x0  }
0x1a: {  	s17 =	simm.s32 $0x0;
	s18 =	simm.s32 $0x200;
	[sflag:s9] =	ssyncadd.s32 $0xFFFFD8F0  }
.LBB2_2:
0x1b: {  	p0 =	sne.s32 s18, $0x13E00;
	[tilespmem:s17+$0xC6F0] =	vst v0  }
0x1c: {  	[tilespmem:s17+$0xC680] =	vst v0  }
0x1d: {  	[tilespmem:s17+$0xC690] =	vst v0  }
.Ltmp0:
0x1e: {  	[tilespmem:s17+$0xC6A0] =	vst v0;
	(pc) =	sbr.rel @p0 .LBB2_2-.Ltmp0, $4  }
0x1f: {  	[tilespmem:s17+$0xC6B0] =	vst v0  }
0x20: {  	[tilespmem:s17+$0xC6C0] =	vst v0  }
0x21: {  	[tilespmem:s17+$0xC6D0] =	vst v0  }
0x22: {  	[tilespmem:s17+$0xC6E0] =	vst v0;
	s17 =	sshra.s32 s18, $0x2;
	s18 =	sadd.s32 $0x200, s18  }
0x23: {  	[tilespmem:s17+$0xC6F0] =	vst v0  }
0x24: {  	[tilespmem:s17+$0xC680] =	vst v0  }
0x25: {  	[tilespmem:s17+$0xC690] =	vst v0  }
0x26: {  	[tilespmem:s17+$0xC6A0] =	vst v0  }
0x27: {  	[tilespmem:s17+$0xC6B0] =	vst v0  }
0x28: {  	[tilespmem:s17+$0xC6C0] =	vst v0  }
0x29: {  	[tilespmem:s17+$0xC6D0] =	vst v0  }
0x2a: {  	[tilespmem:s17+$0xC6E0] =	vst v0;
	s17 =	simm.s32 $0x0  }
.LBB2_4:
0x2b: {  	s18 =	sshra.s32 s17, $0x2  }
0x2c: {  	v1 =	vld [tilespmem:s18+$0x2780]  }
0x2d: {  	v2 =	vld [tilespmem:s18+$0x4F00];
	_ =	sdelay $0x4  }
0x2e: {  	vm0 =	vlt.s32 v1, $0x1388;
	v3 =	vadd.s32 $0x2800, v2  }
0x2f: {  	v2 =	vsel vm0, v2, v3  }
0x30: {  	(xrf1) =	vunique.msk.u32 $0xffff, v2;
	_ =	sdelay $0xc  }
0x31: {  	v3 =	vld [tilespmem:s18+$0x0]  }
0x32: {  	_, v4, vm7 =	vpop (xrf1);
	_ =	sdelay $0x3  }
0x33: {  	v3 =	vshll.u32 v3, $0xE  }
0x34: {  	v1 =	vor.u32 v1, v3  }
0x35: {  	[tilespmem:v2+s12+$0x0] =	vst.idx.msk vm7, v1  }
0x36: {  	[tilespmem:v2+s13+$0x0] =	vst.idx.add.s32.msk vm7, v4  }
0x37: {  	v1 =	vld [tilespmem:s18+$0x2790]  }
0x38: {  	v2 =	vld [tilespmem:s18+$0x4F10];
	_ =	sdelay $0x4  }
0x39: {  	vm8 =	vlt.s32 v1, $0x1388;
	v3 =	vadd.s32 $0x2800, v2  }
0x3a: {  	v2 =	vsel vm8, v2, v3  }
0x3b: {  	(xrf1) =	vunique.msk.u32 $0xffff, v2;
	_ =	sdelay $0xc  }
0x3c: {  	v3 =	vld [tilespmem:s18+$0x10]  }
0x3d: {  	_, v60, vm9 =	vpop (xrf1);
	_ =	sdelay $0x3  }
0x3e: {  	v3 =	vshll.u32 v3, $0xE  }
0x3f: {  	v1 =	vor.u32 v1, v3  }
0x40: {  	[tilespmem:v2+s12+$0x0] =	vst.idx.msk vm9, v1  }
0x41: {  	[tilespmem:v2+s13+$0x0] =	vst.idx.add.s32.msk vm9, v60  }
0x42: {  	v1 =	vld [tilespmem:s18+$0x27A0]  }
0x43: {  	v2 =	vld [tilespmem:s18+$0x4F20];
	_ =	sdelay $0x4  }
0x44: {  	vm10 =	vlt.s32 v1, $0x1388;
	v3 =	vadd.s32 $0x2800, v2  }
0x45: {  	v2 =	vsel vm10, v2, v3  }
0x46: {  	(xrf1) =	vunique.msk.u32 $0xffff, v2;
	_ =	sdelay $0xc  }
0x47: {  	v3 =	vld [tilespmem:s18+$0x20]  }
0x48: {  	_, v61, vm11 =	vpop (xrf1);
	_ =	sdelay $0x3  }
0x49: {  	v3 =	vshll.u32 v3, $0xE  }
0x4a: {  	v1 =	vor.u32 v1, v3  }
0x4b: {  	[tilespmem:v2+s12+$0x0] =	vst.idx.msk vm11, v1  }
0x4c: {  	[tilespmem:v2+s13+$0x0] =	vst.idx.add.s32.msk vm11, v61  }
0x4d: {  	v1 =	vld [tilespmem:s18+$0x27B0]  }
0x4e: {  	v2 =	vld [tilespmem:s18+$0x4F30];
	_ =	sdelay $0x4  }
0x4f: {  	vm12 =	vlt.s32 v1, $0x1388;
	v3 =	vadd.s32 $0x2800, v2  }
0x50: {  	v2 =	vsel vm12, v2, v3  }
0x51: {  	(xrf1) =	vunique.msk.u32 $0xffff, v2;
	_ =	sdelay $0xc  }
0x52: {  	v3 =	vld [tilespmem:s18+$0x30]  }
0x53: {  	_, v62, vm13 =	vpop (xrf1);
	_ =	sdelay $0x3  }
0x54: {  	v3 =	vshll.u32 v3, $0xE  }
0x55: {  	v1 =	vor.u32 v1, v3  }
0x56: {  	[tilespmem:v2+s12+$0x0] =	vst.idx.msk vm13, v1  }
0x57: {  	[tilespmem:v2+s13+$0x0] =	vst.idx.add.s32.msk vm13, v62  }
0x58: {  	v1 =	vld [tilespmem:s18+$0x27C0]  }
0x59: {  	v2 =	vld [tilespmem:s18+$0x4F40];
	_ =	sdelay $0x4  }
0x5a: {  	vm14 =	vlt.s32 v1, $0x1388;
	v3 =	vadd.s32 $0x2800, v2  }
0x5b: {  	v2 =	vsel vm14, v2, v3  }
0x5c: {  	(xrf1) =	vunique.msk.u32 $0xffff, v2;
	_ =	sdelay $0xc  }
0x5d: {  	v3 =	vld [tilespmem:s18+$0x40]  }
0x5e: {  	_, v63, vm15 =	vpop (xrf1);
	_ =	sdelay $0x1  }
0x5f: {  	p0 =	sne.s32 s17, $0x9B00  }
.Ltmp1:
0x60: {  	_ = 	snop;
	(pc) =	sbr.rel @p0 .LBB2_4-.Ltmp1, $4  }
0x61: {  	v3 =	vshll.u32 v3, $0xE  }
0x62: {  	v1 =	vor.u32 v1, v3  }
0x63: {  	[tilespmem:v2+s12+$0x0] =	vst.idx.msk vm15, v1  }
0x64: {  	s17 =	sadd.s32 $0x140, s17;
	[tilespmem:v2+s13+$0x0] =	vst.idx.add.s32.msk vm15, v63  }
0x65: {  	[hbm4b:s6+s14] =	stream.strided.scatter [tilespmem:s12], [sflag:$0x1], $0x5000, s15, s14, $0x38;
	[tilespmem:$0x11680] =	vst v63  }
0x66: {  	s16 =	sadd.s32 $0x1, s16;
	_ =	swait.ge [sflag:s9], $0x5000  }
0x67: {  	p0 =	sne.s32 s16, s8;
	[sflag:s9] =	ssyncset.done $0x0  }
.Ltmp2:
0x68: {  	[sflag:s9] =	ssyncadd.s32 $0xFFFFB000;
	(pc) =	sbr.rel @p0 .LBB2_1-.Ltmp2, $4  }
0x69: {  	[hbm4b:s7+s14] =	stream.strided.scatter [tilespmem:s13], [sflag:$0x1], $0x5000, s15, s14, $0x38;
	[tilespmem:$0x11680] =	vst v63  }
0x6a: {  	_ =	swait.ge [sflag:s9], $0x5000  }
0x6b: {  	[sflag:s9] =	ssyncset.done $0x0  }
0x6c: {  	[sflag:s9] =	ssyncadd.s32 $0xFFFFB000  }
0x6d: {  	_ =	sfence.sel $0x180000  }
0x6e: {  	[bflag:$0x0] =	sbarrier.arrive $0xFFFF  }
0x6f: {  	p0 =	sne.s32 s0, $0x0;
	_ =	strace $0x90000047  }
0x70: {  	s0 =	sadd.s32 @!p0 $0x100000, s1;
	[bflag:$0x2] =	sbarrier.arrive $0xFFFF  }
0x71: {  	[sflag:s0] =	ssyncadd.tile.s32 @!p0 $0x1;
	_ =	shalt  }
.Lfunc_end2:
_tile_overlayer_lowered:
.L_overlay_start_2:
0x72: {  	(tag) =	ssettag $0x2  }
0x73: {  	s0 =	rddreg [dreg:$0x0];
	s2 =	stileid.u32  }
0x74: {  	s1 =	rddreg [dreg:$0x1];
	p0 =	sne.s32 s2, $0x0  }
0x75: {  	s3 =	rddreg [dreg:$0x2];
	[bflag:$0x3] =	sbarrier.arrive $0xFFFF;
	s2 =	simm.s32 @!p0 $0x1C01  }
0x76: {  	[timem:s3], [sflag:s2] =	dma.local @!p0 [hbm:s0], s1  }
0x77: {  	s0 =	simm.s32 @!p0 $0x1  }
0x78: {  	_ =	swait.ge @!p0 [sflag:s0], s1  }
0x79: {  	s1 =	ssub.s32 @!p0 $0x0, s1;
	[sflag:s0] =	ssyncset.done @!p0 $0x0  }
0x7a: {  	[sflag:s0] =	ssyncadd.s32 @!p0 s1  }
0x7b: {  	[bflag:$0x3] =	sbarrier.arrive $0xFFFF  }
0x7c: {  	_ =	shalt  }

// kernel: kernel.9.cloned.1.call-start
scs
__scs_entry_jumppad:
0x0: {  	(pc) =	sbr.rel $0x88, $3  }
0x1: {  	(tag) =	ssettag $0x0;
	lr =	simm.s32 $0x1  }
0x2: {  	[smem:$0x3F9A] =	sst lr;
	_ =	strace $0xD0000000  }
0x3: {  	_ = 	snop  }
0x4: {  	_ = 	snop  }
0x5: {  	_ = 	snop  }
0x6: {  	_ = 	snop  }
0x7: {  	_ = 	snop  }
__scs_overlays_trampoline_lowered:
0x8: {  	[smem:$0x3FA9] =	sst s0  }
0x9: {  	[smem:$0x3FAA] =	sst s1  }
0xa: {  	[smem:$0x3FAB] =	sst s2  }
0xb: {  	[smem:$0x3FAC] =	sst s3  }
0xc: {  	[smem:$0x3FAD] =	sst s4  }
0xd: {  	[smem:$0x3FAE] =	sst s5  }
0xe: {  	[smem:$0x3FAF] =	sst s6  }
0xf: {  	[smem:$0x3FB0] =	sst s7  }
0x10: {  	[smem:$0x3FB1] =	sst s8  }
0x11: {  	[smem:$0x3FB2] =	sst s9;
	s0 =	simm.s32 @!p0 $0x0  }
0x12: {  	s1 =	sld [smem:$0x3F98];
	s0 =	simm.s32 @p0 $0x1  }
0x13: {  	[smem:$0x3FB3] =	sst s0;
	s0 =	simm.s32 @!p1 $0x0  }
0x14: {  	s2 =	sld [smem:$0x3F97];
	s0 =	simm.s32 @p1 $0x1  }
0x15: {  	[smem:$0x3FB4] =	sst s0;
	s0 =	simm.s32 @!p2 $0x0  }
0x16: {  	s3 =	sld [smem:$0x3FDB];
	s0 =	simm.s32 @p2 $0x1  }
0x17: {  	s4 =	simm.s32 $0x1BF5;
	[smem:$0x3FB6] =	sst s0  }
0x18: {  	s0 =	sld [smem:$0x3F99];
	_ =	swait.ge [sflag:s4], $0x0  }
0x19: {  	s7 =	sld [smem:$0x3F9A]  }
0x1a: {  	s8 =	sadd.s32 $0xFFFFE003, lr  }
0x1b: {  	s9 =	sadd.s32 $0xFFFFFEF7, lr;
	s5 =	simm.s32 $0xFFFFFFFF;
	p2 =	slt.u32 s8, $0xFFFFF086  }
0x1c: {  	p1 =	slt.u32 s9, $0xF7A;
	s5 =	simm.s32 @!p2 $0x0  }
0x1d: {  	s5 =	simm.s32 @p1 $0x1;
	p0 =	seq.s32 s7, s2  }
0x1e: {  	s7 =	smul.u32 @!p0 $0xF7A, s2;
	p2 =	seq.s32 @!p0 s5, $0x0  }
0x1f: {  	s9 =	smul.u32 $0xF7A, s1;
	s8 =	simm.s32 @!p0 $0x1BF5;
	p2 =	por !p2, p0  }
0x20: {  	[sflag:s8] =	ssyncset.s32 @!p0 $0xFFFFF086;
	s6 =	sadd.s32 @!p0 s3, s7;
	s7 =	simm.s32 @!p0 $0x108  }
0x21: {  	s3 =	sadd.s32 s3, s9;
	s6 =	sadd.s32 @!p0 $0x88, s6;
	s7 =	simm.s32 @p2 $0x1082  }
0x22: {  	[simem:s7], [sflag:s8] =	dma.local @!p0 [hbm:s6], $0xF7A  }
0x23: {  	s9 =	sor.u32 $0xD0000000, s2;
	s6 =	simm.s32 $0x108;
	_ =	swait.ge @!p0 [sflag:s8], $0x0  }
0x24: {  	s3 =	sadd.s32 $0x88, s3;
	s6 =	simm.s32 @!p1 $0x1082;
	[sflag:s4] =	ssyncset.s32 $0xFFFFF086  }
0x25: {  	[simem:s6], [sflag:s4] =	dma.local [hbm:s3], $0xF7A  }
0x26: {  	[smem:$0x3F9A] =	sst s1;
	(tag) =	ssettag s2;
	_ =	strace s9  }
0x27: {  	s1 =	sld [smem:$0x3FAA]  }
0x28: {  	s2 =	sld [smem:$0x3FAB]  }
0x29: {  	s4 =	sld [smem:$0x3FAD]  }
0x2a: {  	p0 =	seq.s32 s5, $0x0;
	s5 =	sld [smem:$0x3FAE]  }
0x2b: {  	s6 =	sld [smem:$0x3FAF]  }
0x2c: {  	s7 =	sld [smem:$0x3FB0]  }
0x2d: {  	s3 =	simm.s32 $0x108;
	s8 =	sld [smem:$0x3FB1]  }
0x2e: {  	s3 =	simm.s32 @!p0 $0x1082;
	s9 =	sld [smem:$0x3FB2]  }
0x2f: {  	lr =	sadd.s32 s0, s3;
	s0 =	sld [smem:$0x3FA9]  }
0x30: {  	s3 =	sld [smem:$0x3FAC]  }
0x31: {  	[smem:$0x3FB5] =	sst s10  }
0x32: {  	s10 =	sld [smem:$0x3FB3];
	_ =	sdelay $0x3  }
0x33: {  	p0 =	seq.s32 s10, $0x1;
	s10 =	sld [smem:$0x3FB5];
	_ =	sdelay $0x3  }
0x34: {  	[smem:$0x3FB5] =	sst s10  }
0x35: {  	s10 =	sld [smem:$0x3FB4];
	_ =	sdelay $0x3  }
0x36: {  	p1 =	seq.s32 s10, $0x1;
	s10 =	sld [smem:$0x3FB5];
	_ =	sdelay $0x3  }
0x37: {  	[smem:$0x3FB5] =	sst s10  }
0x38: {  	s10 =	sld [smem:$0x3FB6]  }
0x39: {  	_ = 	snop;
	(pc) =	sbr.ind lr, $3  }
0x3a: {  	_ = 	snop  }
0x3b: {  	_ = 	snop  }
0x3c: {  	p2 =	seq.s32 s10, $0x1;
	s10 =	sld [smem:$0x3FB5]  }
0x3d: {  	_ =	shalt  }
0x3e: {  	_ =	shalt  }
0x3f: {  	_ =	shalt  }
0x40: {  	_ =	shalt  }
0x41: {  	_ =	shalt  }
0x42: {  	_ =	shalt  }
0x43: {  	_ =	shalt  }
0x44: {  	_ =	shalt  }
0x45: {  	_ =	shalt  }
0x46: {  	_ =	shalt  }
0x47: {  	_ =	shalt  }
0x48: {  	_ =	shalt  }
0x49: {  	_ =	shalt  }
0x4a: {  	_ =	shalt  }
0x4b: {  	_ =	shalt  }
0x4c: {  	_ =	shalt  }
0x4d: {  	_ =	shalt  }
0x4e: {  	_ =	shalt  }
0x4f: {  	_ =	shalt  }
0x50: {  	_ =	shalt  }
0x51: {  	_ =	shalt  }
0x52: {  	_ =	shalt  }
0x53: {  	_ =	shalt  }
0x54: {  	_ =	shalt  }
0x55: {  	_ =	shalt  }
0x56: {  	_ =	shalt  }
0x57: {  	_ =	shalt  }
0x58: {  	_ =	shalt  }
0x59: {  	_ =	shalt  }
0x5a: {  	_ =	shalt  }
0x5b: {  	_ =	shalt  }
0x5c: {  	_ =	shalt  }
0x5d: {  	_ =	shalt  }
0x5e: {  	_ =	shalt  }
0x5f: {  	_ =	shalt  }
0x60: {  	_ =	shalt  }
0x61: {  	_ =	shalt  }
0x62: {  	_ =	shalt  }
0x63: {  	_ =	shalt  }
0x64: {  	_ =	shalt  }
0x65: {  	_ =	shalt  }
0x66: {  	_ =	shalt  }
0x67: {  	_ =	shalt  }
0x68: {  	_ =	shalt  }
0x69: {  	_ =	shalt  }
0x6a: {  	_ =	shalt  }
0x6b: {  	_ =	shalt  }
0x6c: {  	_ =	shalt  }
0x6d: {  	_ =	shalt  }
0x6e: {  	_ =	shalt  }
0x6f: {  	_ =	shalt  }
0x70: {  	_ =	shalt  }
0x71: {  	_ =	shalt  }
0x72: {  	_ =	shalt  }
0x73: {  	_ =	shalt  }
0x74: {  	_ =	shalt  }
0x75: {  	_ =	shalt  }
0x76: {  	_ =	shalt  }
0x77: {  	_ =	shalt  }
0x78: {  	_ =	shalt  }
0x79: {  	_ =	shalt  }
0x7a: {  	_ =	shalt  }
0x7b: {  	_ =	shalt  }
0x7c: {  	_ =	shalt  }
0x7d: {  	_ =	shalt  }
0x7e: {  	_ =	shalt  }
0x7f: {  	_ =	shalt  }
0x80: {  	_ =	shalt  }
0x81: {  	_ =	shalt  }
0x82: {  	_ =	shalt  }
0x83: {  	_ =	shalt  }
0x84: {  	_ =	shalt  }
0x85: {  	_ =	shalt  }
0x86: {  	_ =	shalt  }
0x87: {  	_ =	shalt  }
.Lfunc_end0:
.L_simem_size_0:
called_computation.1_lowered:
.L_overlay_start_0:
0x88: {  	s2 =	sld [smem:$0x3FD9]  }
0x89: {  	s3 =	sld [smem:$0x3FFE];
	_ =	sdelay $0x1  }
0x8a: {  	s1 =	srdreg.scid  }
0x8b: {  	s0 =	sand.u32 $0x1, s1  }
0x8c: {  	s14 =	sshll.u32 s0, $0xA;
	s2 =	sadd.s32 s3, s2  }
0x8d: {  	s2 =	sadd.s32 s2, s14  }
0x8e: {  	[smem:$0x3FC1] =	sst s2  }
0x8f: {  	_ = 	snop  }
0x90: {  	s2 =	sld [smem:$0x3FD0];
	_ =	sdelay $0x1  }
0x91: {  	s15 =	sld [smem:$0x3FC9]  }
0x92: {  	s5 =	simm.s32 $0xA;
	s6 =	simm.s32 $0x10;
	s4 =	sld [smem:$0x3FC8]  }
0x93: {  	[smem:s6], [sflag:s5] =	dma.local [hbm:s2], $0x1  }
0x94: {  	_ =	swait.eq [sflag:s5], $0x1  }
0x95: {  	[sflag:s5] =	ssyncset.done $0x0  }
0x96: {  	[sflag:s5] =	ssyncadd.s32 $0xFFFFFFFF  }
0x97: {  	s16 =	sld [smem:$0x10];
	(tm) =	ssettm $0x1  }
0x98: {  	s17 =	sld [smem:$0x3FFB];
	_ =	sdelay $0x3  }
0x99: {  	_ =	strace s17  }
0x9a: {  	s5 =	sld [smem:$0x3FFC];
	_ =	sdelay $0x3  }
0x9b: {  	_ =	strace s5  }
0x9c: {  	s5 =	sld [smem:$0x3FFD];
	_ =	sdelay $0x3  }
0x9d: {  	_ =	strace s5  }
0x9e: {  	_ =	strace $0x8FFFFFFF  }
0x9f: {  	s18 =	sld [smem:$0x3FDB];
	_ =	sdelay $0x1  }
0xa0: {  	s19 =	simm.s32 $_scs_section_size  }
0xa1: {  	s7 =	simm.s32 $_size__tile_overlayer_lowered;
	s8 =	simm.s32 $_tile_overlayer_lowered  }
0xa2: {  	s22 =	simm.s32 $0x1BFF;
	s21 =	sshll.u32 s8, $0x1;
	s5 =	sadd.s32 s19, s18  }
0xa3: {  	s9 =	simm.s32 $0x0;
	s20 =	sshll.u32 s7, $0x1;
	s7 =	sadd.s32 s21, s5  }
0xa4: {  	[timem:s9], [sflag:s22] =	dma.local [hbm:s7], s20  }
0xa5: {  	_ =	swait.ge [sflag:s22], s20  }
0xa6: {  	s6 =	ssub.s32 $0x0, s20;
	[sflag:s22] =	ssyncset.done $0x0  }
0xa7: {  	[sflag:s22] =	ssyncadd.s32 s6;
	_ =	sdelay $0x1  }
0xa8: {  	s23 =	simm.s32 $0x1B8B  }
0xa9: {  	_ =	swait.ge [sflag:s23], $0x1  }
0xaa: {  	[sflag:s23] =	ssyncset.done $0x0  }
0xab: {  	s25 =	simm.s32 $0x1B8E;
	s24 =	sld [smem:$0x3FFE];
	[sflag:s23] =	ssyncadd.s32 $0xFFFFFFFF  }
0xac: {  	s26 =	simm.s32 $execute0_lowered;
	[smem:$0x3FD2] =	sst s25  }
0xad: {  	s7 =	sshll.u32 s26, $0x1;
	_ =	strace $0x80000049;
	[dreg:$0x1] =	wrdreg $0xFFFFFFFF  }
0xae: {  	s28 =	simm.s32 $_size_execute0_lowered;
	s5 =	sadd.s32 s5, s7;
	[dreg:$0x0] =	wrdreg $0x0  }
0xaf: {  	s7 =	sshll.u32 s28, $0x1;
	[dreg:$0x2] =	wrdreg s5  }
0xb0: {  	[dreg:$0x3] =	wrdreg s7  }
0xb1: {  	[dreg:$0x4] =	wrdreg $0xC0  }
0xb2: {  	_ =	task [dreg:s9], $0x5FFFF  }
0xb3: {  	[dreg:$0x1] =	wrdreg $0xFFFFFFFF  }
0xb4: {  	[dreg:$0x0] =	wrdreg $0x60  }
0xb5: {  	[dreg:$0x2] =	wrdreg s16  }
0xb6: {  	[dreg:$0x3] =	wrdreg s24  }
0xb7: {  	[dreg:$0x4] =	wrdreg s15  }
0xb8: {  	[dreg:$0x5] =	wrdreg s4  }
0xb9: {  	[dreg:$0x6] =	wrdreg $0x9  }
0xba: {  	_ =	task.clear_ibuf [dreg:s9], $0x7FFFF;
	_ =	strace $0x90000049  }
0xbb: {  	s29 =	simm.s32 $0x9;
	_ =	strace $0x8000004B  }
0xbc: {  	_ =	swait.ge [sflag:s29], $0x1  }
0xbd: {  	[sflag:s29] =	ssyncadd.s32 $0xFFFFFFFF  }
0xbe: {  	_ =	strace $0x9000004B  }
0xbf: {  	_ =	sfence  }
0xc0: {  	s30 =	sld [smem:$0x0];
	_ =	sdelay $0x2  }
0xc1: {  	s31 =	sshll.u32 s1, $0xD;
	s1 =	sshrl.u32 s1, $0x2  }
0xc2: {  	s3 =	sand.u32 $0x4000, s31;
	s1 =	sadd.s32 s1, s30  }
0xc3: {  	s0 =	sor.u32 s3, s0;
	s1 =	sshll.u32 s1, $0x11  }
0xc4: {  	s0 =	sor.u32 s1, s0  }
0xc5: {  	s0 =	sadd.s32 $0x8F2B, s0  }
0xc6: {  	[sflag:s0] =	ssyncadd.remote.s32 $0x1  }
0xc7: {  	_ =	sfence.sel $0xFFFF  }
0xc8: {  	[dreg:$0x0] =	wrdreg $0xFFFFFFFF;
	(pc) =	sbr.abs _section_cstart, $3  }
0xc9: {  	[dreg:$0x1] =	wrdreg $0xFFFFFFFF  }
0xca: {  	_ =	task.clear_ibuf [dreg:s9], $0x2FFFF;
	_ =	strace $0x9FFFFFFF  }
0xcb: {  	(tm) =	ssettm $0x7FFFFFFF  }
tec
execute0_lowered:
.L_overlay_start_1:
0x0: {  	(tag) =	ssettag $0x1  }
0x1: {  	s0 =	srdreg.scid;
	s1 =	rddreg [dreg:$0x0]  }
0x2: {  	s4 =	stileid.u32;
	s6 =	rddreg [dreg:$0x1]  }
0x3: {  	s13 =	simm.s32 $0x3;
	s15 =	simm.s32 $0x80;
	s17 =	simm.s32 $0xA500  }
0x4: {  	s18 =	simm.s32 $0xA780;
	s19 =	simm.s32 $0xE780;
	s20 =	simm.s32 $0x1  }
0x5: {  	s21 =	simm.s32 $0x2;
	s22 =	simm.s32 $0x0;
	s0 =	sand.u32 $0x1, s0  }
0x6: {  	s2 =	sshll.u32 s4, $0x1;
	s8 =	sshrl.u32 s4, $0x3;
	s4 =	simm.s32 $0x0  }
0x7: {  	s3 =	sor.u32 s0, s2;
	s2 =	rddreg [dreg:$0x2];
	s5 =	smul.u32 $0xFFFFD800, s8  }
0x8: {  	[smem:$0x7FF] =	sst s4;
	s10 =	sshll.u32 s8, $0x7;
	s7 =	smul.u32 $0x280, s3  }
0x9: {  	s0 =	ssub.s32 $0x2, s0;
	s30 =	smul.u32 $0x140000, s8;
	s3 =	rddreg [dreg:$0x3]  }
0xa: {  	_ =	strace $0x8000004A;
	s12 =	sshrl.u32 s0, $0x1;
	s9 =	sadd.s32 s5, s7  }
0xb: {  	s0 =	ssub.s32 s0, s12;
	s12 =	simm.s32 $0x28000;
	s5 =	sshll.u32 s9, $0x1  }
0xc: {  	s11 =	sadd.s32 s7, s6;
	s31 =	sshll.u32 s9, $0x7;
	s10 =	sor.u32 s10, s5  }
0xd: {  	s5 =	sadd.s32 $0x29A00, s6;
	s9 =	sadd.s32 s30, s31;
	s10 =	sshrl.u32 s10, $0x3  }
0xe: {  	s10 =	sadd.s32 s10, s6;
	s6 =	sadd.s32 s1, s7;
	s7 =	sadd.s32 $0x15A00, s11  }
0xf: {  	s11 =	simm.s32 $0x1400;
	s8 =	sadd.s32 $0x1E00, s10;
	s10 =	smax.u32 s0, $0x1  }
.LBB2_1:
0x10: {  	[tilespmem:s4], [sflag:$0x3] =	stream.strided.gather [hbm4b:s6+s11], $0x5000, s12, s11, $0x38;
	[tilespmem:$0x12780] =	vst v63  }
0x11: {  	_ =	swait.ge [sflag:s13], $0x5000  }
0x12: {  	[sflag:s13] =	ssyncset.done $0x0  }
0x13: {  	s0 =	simm.s32 $0x5000;
	[sflag:s13] =	ssyncadd.s32 $0xFFFFB000  }
0x14: {  	[tilespmem:s0], [sflag:$0x3] =	stream.strided.gather [hbm4b:s7+s11], $0x5000, s12, s11, $0x38;
	[tilespmem:$0x12780] =	vst v63  }
0x15: {  	_ =	swait.ge [sflag:s13], $0x5000  }
0x16: {  	s26 =	sor.u32 s4, s4;
	s1 =	sand.u32 $0x70, s4;
	[sflag:s13] =	ssyncset.done $0x0  }
0x17: {  	s23 =	sand.u32 $0x1C00, s4;
	s0 =	sor.u32 $0x380, s26;
	[sflag:s13] =	ssyncadd.s32 $0xFFFFB000  }
0x18: {  	s23 =	sor.u32 s1, s23;
	v8 =	vld [tilespmem:s0+$0x5000]  }
0x19: {  	v0 =	vld [tilespmem:s23+$0x2800]  }
0x1a: {  	v1 =	vld [tilespmem:s23+$0x7800]  }
0x1b: {  	v2 =	vld [tilespmem:s23+$0x1700]  }
0x1c: {  	v4 =	vld [tilespmem:s23+$0x1680]  }
0x1d: {  	v5 =	vld [tilespmem:s23+$0x1600]  }
0x1e: {  	v7 =	vld [tilespmem:s23+$0x1580]  }
0x1f: {  	v3 =	vld [tilespmem:s23+$0x6780]  }
0x20: {  	v9 =	vld [tilespmem:s23+$0x1500]  }
0x21: {  	v6 =	vld [tilespmem:s23+$0x6680]  }
0x22: {  	v11 =	vld [tilespmem:s23+$0x1480]  }
0x23: {  	v13 =	vld [tilespmem:s23+$0x1400]  }
0x24: {  	v14 =	vld [tilespmem:s23+$0x6400]  }
0x25: {  	v17 =	vld [tilespmem:s0+$0x0]  }
0x26: {  	v22 =	vld [tilespmem:s23+$0x300]  }
0x27: {  	v27 =	vld [tilespmem:s23+$0x280]  }
0x28: {  	v25 =	vld [tilespmem:s23+$0x5300]  }
0x29: {  	v30 =	vld [tilespmem:s23+$0x200]  }
0x2a: {  	v31 =	vld [tilespmem:s23+$0x180]  }
0x2b: {  	v12 =	vld [tilespmem:s23+$0x6600]  }
0x2c: {  	v10 =	vld [tilespmem:s23+$0x6700]  }
0x2d: {  	v15 =	vld [tilespmem:s23+$0x6580]  }
0x2e: {  	v20 =	vld [tilespmem:s23+$0x6500]  }
0x2f: {  	v23 =	vld [tilespmem:s23+$0x6480]  }
0x30: {  	v29 =	vld [tilespmem:s23+$0x100]  }
0x31: {  	v28 =	vld [tilespmem:s23+$0x5180]  }
0x32: {  	v32 =	vld [tilespmem:s23+$0x5280]  }
0x33: {  	v33 =	vld [tilespmem:s23+$0x5200]  }
0x34: {  	v34 =	vld [tilespmem:s23+$0x80]  }
0x35: {  	v26 =	vld [tilespmem:s23+$0x5100]  }
0x36: {  	v35 =	vld [tilespmem:s23+$0x0]  }
0x37: {  	v18 =	vld [tilespmem:s23+$0x5080]  }
0x38: {  	v36 =	vld [tilespmem:s23+$0x5000];
	vm8 =	vgt.s32 v25, $0x0  }
0x39: {  	v16 =	vld [tilespmem:s23+$0x7880];
	vm6 =	vgt.s32 v14, $0x0;
	vm5 =	vgt.s32 v20, $0x0;
	vm11 =	vgt.s32 v8, $0x0  }
0x3a: {  	v21 =	vld [tilespmem:s23+$0x2880];
	vm4 =	vgt.s32 v12, $0x0;
	vm0 =	vgt.s32 v6, $0x0;
	vm10 =	vgt.s32 v23, $0x0  }
0x3b: {  	v19 =	vld [tilespmem:s23+$0x7900];
	vm9 =	vgt.s32 v26, $0x0;
	vm1 =	vgt.s32 v10, $0x0;
	vm15 =	vgt.s32 v28, $0x0  }
0x3c: {  	v24 =	vld [tilespmem:s23+$0x2900];
	vm13 =	vgt.s32 v33, $0x0;
	vm3 =	vgt.s32 v3, $0x0;
	vm12 =	vgt.s32 v18, $0x0  }
0x3d: {  	vm2 =	vgt.s32 v1, $0x0;
	vm7 =	vgt.s32 v36, $0x0;
	v36 =	vadd.s32 v36, v18;
	v18 =	vld [tilespmem:s23+$0x7A00]  }
0x3e: {  	vm14 =	vgt.s32 v32, $0x0;
	v35 =	vnsel vm7, $0x0, v35;
	v36 =	vadd.s32 v26, v36;
	v26 =	vld [tilespmem:s23+$0x7980]  }
0x3f: {  	s28 =	simm.s32 $0xA000;
	s29 =	simm.s32 $0xA280;
	vm7 =	vgt.s32 v16, $0x0;
	v34 =	vsel vm12, v34, v35;
	v63 =	vadd.s32 v28, v36;
	v28 =	vld [tilespmem:s23+$0x2980]  }
0x40: {  	s30 =	simm.s32 $0x10;
	s31 =	simm.s32 $0xA510;
	s24 =	simm.s32 $0xA000;
	vm12 =	vgt.s32 v15, $0x0;
	v34 =	vsel vm9, v29, v34;
	v35 =	vadd.s32 v33, v63;
	v29 =	vld [tilespmem:s23+$0x2A00]  }
0x41: {  	s25 =	simm.s32 $0xA280;
	s1 =	simm.s32 $0x0;
	s26 =	simm.s32 $0xA500;
	vm9 =	vgt.s32 v19, $0x0;
	v33 =	vsel vm15, v31, v34;
	v32 =	vadd.s32 v32, v35;
	v31 =	vld [tilespmem:s23+$0x1780]  }
.LBB2_2:
0x42: {  	v30 =	vsel vm13, v30, v33;
	v33 =	vld [tilespmem:s23+$0x8C00];
	s1 =	sadd.s32 $0x80, s1;
	s28 =	sadd.s32 $0x10, s28;
	s29 =	sadd.s32 $0x10, s29  }
0x43: {  	p0 =	sne.s32 s30, $0x270;
	s0 =	smov.u32 s30;
	s30 =	sadd.s32 $0x10, s30;
	v27 =	vsel vm14, v27, v30;
	vm13 =	vgt.s32 v26, $0x0;
	v30 =	vld [tilespmem:s23+$0x7B80]  }
0x44: {  	v25 =	vadd.s32 v25, v32;
	v22 =	vsel vm8, v22, v27;
	vm8 =	vgt.s32 v18, $0x0;
	v27 =	vld [tilespmem:s23+$0x7B00]  }
0x45: {  	v8 =	vadd.s32 v8, v25;
	v17 =	vsel vm11, v17, v22;
	v22 =	vld [tilespmem:s23+$0x7A80]  }
0x46: {  	v8 =	vadd.s32 v14, v8;
	v13 =	vsel vm6, v13, v17;
	v14 =	vld [tilespmem:s23+$0x2A80]  }
0x47: {  	v8 =	vadd.s32 v23, v8;
	v11 =	vsel vm10, v11, v13;
	v13 =	vld [tilespmem:s23+$0x2B00]  }
0x48: {  	v8 =	vadd.s32 v20, v8;
	v9 =	vsel vm5, v9, v11;
	v11 =	vld [tilespmem:s23+$0x2B80]  }
0x49: {  	v8 =	vadd.s32 v15, v8;
	v7 =	vsel vm12, v7, v9;
	v9 =	vld [tilespmem:s23+$0x3C00]  }
0x4a: {  	v5 =	vsel vm4, v5, v7;
	v7 =	vadd.s32 v12, v8;
	vm4 =	vgt.s32 v22, $0x0;
	v8 =	vld [tilespmem:s23+$0x8D00]  }
0x4b: {  	v4 =	vsel vm0, v4, v5;
	v5 =	vadd.s32 v6, v7;
	vm0 =	vgt.s32 v27, $0x0;
	v6 =	vld [tilespmem:s23+$0x8C80]  }
0x4c: {  	v2 =	vsel vm1, v2, v4;
	v4 =	vadd.s32 v10, v5;
	vm1 =	vgt.s32 v30, $0x0;
	v5 =	vld [tilespmem:s23+$0x3C80]  }
0x4d: {  	v2 =	vsel vm3, v31, v2;
	v3 =	vadd.s32 v3, v4;
	vm3 =	vgt.s32 v33, $0x0;
	v4 =	vld [tilespmem:s23+$0x3D00]  }
0x4e: {  	v0 =	vsel vm2, v0, v2;
	v1 =	vadd.s32 v1, v3;
	v2 =	vld [tilespmem:s23+$0x8D80]  }
0x4f: {  	v0 =	vsel vm7, v21, v0;
	v1 =	vadd.s32 v16, v1;
	v3 =	vld [tilespmem:s23+$0x3D80]  }
0x50: {  	v0 =	vsel vm9, v24, v0;
	v1 =	vadd.s32 v19, v1;
	vm2 =	vgt.s32 v6, $0x0;
	v7 =	vld [tilespmem:s23+$0x8E80]  }
0x51: {  	vm5 =	vgt.s32 v8, $0x0;
	v0 =	vsel vm13, v28, v0;
	v1 =	vadd.s32 v26, v1;
	v10 =	vld [tilespmem:s23+$0x8E00]  }
0x52: {  	v0 =	vsel vm8, v29, v0;
	v1 =	vadd.s32 v18, v1;
	v12 =	vld [tilespmem:s23+$0x3E00]  }
0x53: {  	v0 =	vsel vm4, v14, v0;
	v1 =	vadd.s32 v22, v1;
	vm4 =	vgt.s32 v2, $0x0;
	v14 =	vld [tilespmem:s23+$0x3E80]  }
0x54: {  	v0 =	vsel vm0, v13, v0;
	v1 =	vadd.s32 v27, v1;
	v13 =	vld [tilespmem:s23+$0x8F80]  }
0x55: {  	v0 =	vsel vm1, v11, v0;
	v1 =	vadd.s32 v30, v1;
	v11 =	vld [tilespmem:s23+$0x8F00]  }
0x56: {  	v0 =	vsel vm3, v9, v0;
	v1 =	vadd.s32 v33, v1;
	vm0 =	vgt.s32 v10, $0x0;
	v9 =	vld [tilespmem:s23+$0x3F00]  }
0x57: {  	vm1 =	vgt.s32 v7, $0x0;
	v0 =	vsel vm2, v5, v0;
	v1 =	vadd.s32 v6, v1;
	v5 =	vld [tilespmem:s23+$0x3F80]  }
0x58: {  	v0 =	vsel vm5, v4, v0;
	v1 =	vadd.s32 v8, v1  }
0x59: {  	v0 =	vsel vm4, v3, v0;
	v1 =	vadd.s32 v2, v1  }
0x5a: {  	v0 =	vsel vm0, v12, v0;
	v1 =	vadd.s32 v10, v1;
	vm0 =	vgt.s32 v11, $0x0  }
0x5b: {  	v0 =	vsel vm1, v14, v0;
	v1 =	vadd.s32 v7, v1;
	vm1 =	vgt.s32 v13, $0x0  }
0x5c: {  	v0 =	vsel vm0, v9, v0;
	v1 =	vadd.s32 v11, v1  }
0x5d: {  	v0 =	vsel vm1, v5, v0;
	v1 =	vadd.s32 v13, v1  }
0x5e: {  	v2 =	vshrl.u32 v0, $0xE;
	v0 =	vand.u32 $0x3FFF, v0;
	v1 =	vcvt.s32.f32 v1  }
0x5f: {  	[tilespmem:s24+$0x0] =	vst v2;
	s24 =	smov.u32 s28  }
0x60: {  	[tilespmem:s25+$0x0] =	vst v0;
	s25 =	smov.u32 s29  }
0x61: {  	s23 =	sor.u32 s1, s0;
	[tilespmem:s26+$0x0] =	vst v1;
	s26 =	smov.u32 s31  }
0x62: {  	s14 =	sand.u32 $0x1C00, s1;
	s0 =	sand.u32 $0x70, s0;
	s16 =	sor.u32 $0x380, s23  }
0x63: {  	s23 =	sor.u32 s0, s14;
	v8 =	vld [tilespmem:s16+$0x5000]  }
0x64: {  	v0 =	vld [tilespmem:s23+$0x2800]  }
0x65: {  	v1 =	vld [tilespmem:s23+$0x7800]  }
0x66: {  	v2 =	vld [tilespmem:s23+$0x1700]  }
0x67: {  	v4 =	vld [tilespmem:s23+$0x1680]  }
0x68: {  	v5 =	vld [tilespmem:s23+$0x1600]  }
0x69: {  	v7 =	vld [tilespmem:s23+$0x1580]  }
0x6a: {  	v3 =	vld [tilespmem:s23+$0x6780]  }
0x6b: {  	v9 =	vld [tilespmem:s23+$0x1500]  }
0x6c: {  	v6 =	vld [tilespmem:s23+$0x6680]  }
0x6d: {  	v11 =	vld [tilespmem:s23+$0x1480]  }
0x6e: {  	v13 =	vld [tilespmem:s23+$0x1400]  }
0x6f: {  	v14 =	vld [tilespmem:s23+$0x6400]  }
0x70: {  	v17 =	vld [tilespmem:s16+$0x0]  }
0x71: {  	v22 =	vld [tilespmem:s23+$0x300]  }
0x72: {  	v27 =	vld [tilespmem:s23+$0x280]  }
0x73: {  	v25 =	vld [tilespmem:s23+$0x5300]  }
0x74: {  	v30 =	vld [tilespmem:s23+$0x200]  }
0x75: {  	v31 =	vld [tilespmem:s23+$0x180]  }
0x76: {  	v12 =	vld [tilespmem:s23+$0x6600]  }
0x77: {  	v10 =	vld [tilespmem:s23+$0x6700]  }
0x78: {  	v15 =	vld [tilespmem:s23+$0x6580]  }
0x79: {  	v20 =	vld [tilespmem:s23+$0x6500]  }
0x7a: {  	v23 =	vld [tilespmem:s23+$0x6480]  }
0x7b: {  	vm8 =	vgt.s32 v25, $0x0;
	v29 =	vld [tilespmem:s23+$0x100]  }
0x7c: {  	v28 =	vld [tilespmem:s23+$0x5180]  }
0x7d: {  	vm6 =	vgt.s32 v14, $0x0;
	v32 =	vld [tilespmem:s23+$0x5280]  }
0x7e: {  	v33 =	vld [tilespmem:s23+$0x5200]  }
0x7f: {  	v34 =	vld [tilespmem:s23+$0x80]  }
0x80: {  	vm5 =	vgt.s32 v20, $0x0;
	v26 =	vld [tilespmem:s23+$0x5100]  }
0x81: {  	vm11 =	vgt.s32 v8, $0x0;
	v35 =	vld [tilespmem:s23+$0x0]  }
0x82: {  	vm4 =	vgt.s32 v12, $0x0;
	v18 =	vld [tilespmem:s23+$0x5080]  }
0x83: {  	vm0 =	vgt.s32 v6, $0x0;
	v36 =	vld [tilespmem:s23+$0x5000]  }
0x84: {  	vm10 =	vgt.s32 v23, $0x0;
	v16 =	vld [tilespmem:s23+$0x7880]  }
0x85: {  	vm1 =	vgt.s32 v10, $0x0;
	vm9 =	vgt.s32 v26, $0x0;
	v21 =	vld [tilespmem:s23+$0x2880]  }
0x86: {  	vm3 =	vgt.s32 v3, $0x0;
	vm15 =	vgt.s32 v28, $0x0;
	vm13 =	vgt.s32 v33, $0x0;
	v19 =	vld [tilespmem:s23+$0x7900]  }
0x87: {  	vm2 =	vgt.s32 v1, $0x0;
	vm12 =	vgt.s32 v18, $0x0;
	v24 =	vld [tilespmem:s23+$0x2900]  }
.Ltmp0:
0x88: {  	vm14 =	vgt.s32 v32, $0x0;
	vm7 =	vgt.s32 v36, $0x0;
	v36 =	vadd.s32 v36, v18;
	v18 =	vld [tilespmem:s23+$0x7A00];
	(pc) =	sbr.rel @p0 .LBB2_2-.Ltmp0, $4  }
0x89: {  	v35 =	vnsel vm7, $0x0, v35;
	v36 =	vadd.s32 v26, v36;
	vm7 =	vgt.s32 v16, $0x0;
	v26 =	vld [tilespmem:s23+$0x7980]  }
0x8a: {  	v34 =	vsel vm12, v34, v35;
	v35 =	vadd.s32 v28, v36;
	vm12 =	vgt.s32 v15, $0x0;
	v28 =	vld [tilespmem:s23+$0x2980]  }
0x8b: {  	v34 =	vsel vm9, v29, v34;
	v35 =	vadd.s32 v33, v35;
	vm9 =	vgt.s32 v19, $0x0;
	v29 =	vld [tilespmem:s23+$0x2A00]  }
0x8c: {  	s31 =	sadd.s32 $0x10, s31;
	v33 =	vsel vm15, v31, v34;
	v32 =	vadd.s32 v32, v35;
	v31 =	vld [tilespmem:s23+$0x1780]  }
0x8d: {  	v30 =	vsel vm13, v30, v33  }
0x8e: {  	v38 =	vld [tilespmem:s23+$0x8C00];
	v27 =	vsel vm14, v27, v30  }
0x8f: {  	v39 =	vld [tilespmem:s23+$0x7B80];
	v22 =	vsel vm8, v22, v27  }
0x90: {  	v25 =	vadd.s32 v25, v32;
	v40 =	vld [tilespmem:s23+$0x7B00];
	v17 =	vsel vm11, v17, v22  }
0x91: {  	v41 =	vld [tilespmem:s23+$0x7A80];
	v8 =	vadd.s32 v8, v25;
	v13 =	vsel vm6, v13, v17  }
0x92: {  	v42 =	vld [tilespmem:s23+$0x2A80];
	v8 =	vadd.s32 v14, v8;
	v11 =	vsel vm10, v11, v13  }
0x93: {  	v43 =	vld [tilespmem:s23+$0x2B00];
	v8 =	vadd.s32 v23, v8;
	v9 =	vsel vm5, v9, v11  }
0x94: {  	v44 =	vld [tilespmem:s23+$0x2B80];
	v8 =	vadd.s32 v20, v8;
	v7 =	vsel vm12, v7, v9  }
0x95: {  	v45 =	vld [tilespmem:s23+$0x3C00];
	v8 =	vadd.s32 v15, v8;
	v5 =	vsel vm4, v5, v7  }
0x96: {  	v47 =	vld [tilespmem:s23+$0x8D00];
	v46 =	vadd.s32 v12, v8;
	v4 =	vsel vm0, v4, v5  }
0x97: {  	v49 =	vld [tilespmem:s23+$0x8C80];
	v48 =	vadd.s32 v6, v46;
	v2 =	vsel vm1, v2, v4  }
0x98: {  	v51 =	vld [tilespmem:s23+$0x3C80];
	v50 =	vadd.s32 v10, v48;
	v2 =	vsel vm3, v31, v2  }
0x99: {  	v52 =	vld [tilespmem:s23+$0x3D00];
	v3 =	vadd.s32 v3, v50;
	v0 =	vsel vm2, v0, v2  }
0x9a: {  	v53 =	vld [tilespmem:s23+$0x8D80];
	v1 =	vadd.s32 v1, v3;
	v0 =	vsel vm7, v21, v0  }
0x9b: {  	v54 =	vld [tilespmem:s23+$0x3D80];
	vm15 =	vgt.s32 v26, $0x0;
	v1 =	vadd.s32 v16, v1;
	v0 =	vsel vm9, v24, v0  }
0x9c: {  	v55 =	vld [tilespmem:s23+$0x8E80];
	vm4 =	vgt.s32 v18, $0x0;
	v1 =	vadd.s32 v19, v1;
	v0 =	vsel vm15, v28, v0  }
0x9d: {  	v56 =	vld [tilespmem:s23+$0x8E00];
	vm5 =	vgt.s32 v41, $0x0;
	v1 =	vadd.s32 v26, v1;
	v0 =	vsel vm4, v29, v0  }
0x9e: {  	v57 =	vld [tilespmem:s23+$0x3E00];
	vm6 =	vgt.s32 v40, $0x0;
	v1 =	vadd.s32 v18, v1;
	v0 =	vsel vm5, v42, v0  }
0x9f: {  	v58 =	vld [tilespmem:s23+$0x3E80];
	vm7 =	vgt.s32 v39, $0x0;
	v1 =	vadd.s32 v41, v1;
	v0 =	vsel vm6, v43, v0  }
0xa0: {  	v59 =	vld [tilespmem:s23+$0x8F80];
	vm8 =	vgt.s32 v38, $0x0;
	v1 =	vadd.s32 v40, v1;
	v0 =	vsel vm7, v44, v0  }
0xa1: {  	v60 =	vld [tilespmem:s23+$0x8F00];
	vm9 =	vgt.s32 v49, $0x0;
	v1 =	vadd.s32 v39, v1;
	v0 =	vsel vm8, v45, v0  }
0xa2: {  	v61 =	vld [tilespmem:s23+$0x3F00];
	vm10 =	vgt.s32 v47, $0x0;
	v1 =	vadd.s32 v38, v1;
	v0 =	vsel vm9, v51, v0  }
0xa3: {  	v62 =	vld [tilespmem:s23+$0x3F80];
	vm11 =	vgt.s32 v53, $0x0;
	v1 =	vadd.s32 v49, v1;
	v0 =	vsel vm10, v52, v0  }
0xa4: {  	vm12 =	vgt.s32 v56, $0x0;
	v1 =	vadd.s32 v47, v1;
	v0 =	vsel vm11, v54, v0  }
0xa5: {  	vm13 =	vgt.s32 v55, $0x0;
	v1 =	vadd.s32 v53, v1;
	v0 =	vsel vm12, v57, v0  }
0xa6: {  	vm14 =	vgt.s32 v60, $0x0;
	v1 =	vadd.s32 v56, v1;
	v0 =	vsel vm13, v58, v0  }
0xa7: {  	vm15 =	vgt.s32 v59, $0x0;
	v1 =	vadd.s32 v55, v1;
	v0 =	vsel vm14, v61, v0  }
0xa8: {  	v1 =	vadd.s32 v60, v1;
	v0 =	vsel vm15, v62, v0  }
0xa9: {  	v1 =	vadd.s32 v59, v1;
	v63 =	vshrl.u32 v0, $0xE  }
0xaa: {  	v1 =	vcvt.s32.f32 v1;
	v0 =	vand.u32 $0x3FFF, v0;
	[tilespmem:s24+$0x0] =	vst v63  }
0xab: {  	[tilespmem:s25+$0x0] =	vst v0  }
0xac: {  	s0 =	simm.s32 $0x100;
	[tilespmem:s26+$0x0] =	vst v1  }
0xad: {  	[hbm4b:s8+s15] =	stream.strided.scatter [tilespmem:s17], [sflag:$0x3], $0x280, s0, s15, $0x38;
	[tilespmem:$0x12780] =	vst v63  }
0xae: {  	_ =	swait.ge [sflag:s13], $0x280  }
0xaf: {  	[sflag:s13] =	ssyncset.done $0x0  }
0xb0: {  	s0 =	simm.s32 $0x0;
	[sflag:s13] =	ssyncadd.s32 $0xFFFFFD80  }
.LBB2_4:
0xb1: {  	s1 =	sshll.u32 s0, $0x7  }
0xb2: {  	s14 =	sadd.s32 $0xA000, s1  }
0xb3: {  	[tilespmem:s18], [sflag:$0x1] =	stream.indirect.gather [hbm4b:s2+s15], $0x80, s14, s15, $0xb8;
	[tilespmem:$0x12780] =	vst v63  }
0xb4: {  	s1 =	sadd.s32 $0xA280, s1  }
0xb5: {  	[tilespmem:s19], [sflag:$0x2] =	stream.indirect.gather [hbm4b:s3+s15], $0x80, s1, s15, $0xb8;
	[tilespmem:$0x12780] =	vst v63  }
0xb6: {  	_ =	swait.ge [sflag:s20], $0x4000  }
0xb7: {  	[sflag:s20] =	ssyncset.done $0x0  }
0xb8: {  	[sflag:s20] =	ssyncadd.s32 $0xFFFFC000  }
0xb9: {  	_ =	swait.ge [sflag:s21], $0x4000  }
0xba: {  	[sflag:s21] =	ssyncset.done $0x0  }
0xbb: {  	s1 =	simm.s32 $0x0;
	[sflag:s21] =	ssyncadd.s32 $0xFFFFC000  }
0xbc: {  	v7 =	vld [tilespmem:s1+$0xE780]  }
0xbd: {  	v11 =	vld [tilespmem:s1+$0xE790]  }
0xbe: {  	v5 =	vld [tilespmem:s1+$0xE7A0]  }
0xbf: {  	v4 =	vld [tilespmem:s1+$0xE7B0]  }
0xc0: {  	v3 =	vld [tilespmem:s1+$0xE7C0]  }
0xc1: {  	v2 =	vld [tilespmem:s1+$0xE7D0]  }
0xc2: {  	v1 =	vld [tilespmem:s1+$0xE7E0]  }
0xc3: {  	v0 =	vld [tilespmem:s1+$0xE7F0]  }
0xc4: {  	v12 =	vld [tilespmem:s1+$0xA780]  }
0xc5: {  	v13 =	vld [tilespmem:s1+$0xA790]  }
0xc6: {  	v10 =	vld [tilespmem:s1+$0xA7A0]  }
0xc7: {  	v9 =	vld [tilespmem:s1+$0xA7B0]  }
0xc8: {  	v8 =	vld [tilespmem:s1+$0xA7C0]  }
0xc9: {  	v6 =	vld [tilespmem:s1+$0xA7D0];
	v12 =	vadd.f32 v7, v12  }
0xca: {  	s23 =	simm.s32 $0x200;
	v11 =	vadd.f32 v11, v13;
	v7 =	vld [tilespmem:s1+$0xA7E0]  }
.LBB2_5:
0xcb: {  	s14 =	sshra.s32 s23, $0x2;
	p0 =	sne.s32 s23, $0xFE00;
	[tilespmem:s1+$0xA780] =	vst v12;
	v5 =	vadd.f32 v5, v10;
	v10 =	vld [tilespmem:s1+$0xA7F0]  }
0xcc: {  	v12 =	vld [tilespmem:s14+$0xE780];
	[tilespmem:s1+$0xA790] =	vst v11;
	v4 =	vadd.f32 v4, v9  }
0xcd: {  	v11 =	vld [tilespmem:s14+$0xE790];
	[tilespmem:s1+$0xA7A0] =	vst v5;
	v3 =	vadd.f32 v3, v8  }
0xce: {  	v5 =	vld [tilespmem:s14+$0xE7A0];
	[tilespmem:s1+$0xA7B0] =	vst v4;
	v2 =	vadd.f32 v2, v6  }
0xcf: {  	v4 =	vld [tilespmem:s14+$0xE7B0];
	[tilespmem:s1+$0xA7C0] =	vst v3;
	v1 =	vadd.f32 v1, v7  }
0xd0: {  	v3 =	vld [tilespmem:s14+$0xE7C0];
	[tilespmem:s1+$0xA7D0] =	vst v2;
	v0 =	vadd.f32 v0, v10  }
0xd1: {  	v2 =	vld [tilespmem:s14+$0xE7D0];
	[tilespmem:s1+$0xA7E0] =	vst v1  }
0xd2: {  	v1 =	vld [tilespmem:s14+$0xE7E0];
	[tilespmem:s1+$0xA7F0] =	vst v0;
	s1 =	smov.u32 s14  }
0xd3: {  	v0 =	vld [tilespmem:s1+$0xE7F0]  }
0xd4: {  	v6 =	vld [tilespmem:s1+$0xA780]  }
0xd5: {  	v7 =	vld [tilespmem:s1+$0xA790]  }
.Ltmp1:
0xd6: {  	v10 =	vld [tilespmem:s1+$0xA7A0];
	(pc) =	sbr.rel @p0 .LBB2_5-.Ltmp1, $4  }
0xd7: {  	v9 =	vld [tilespmem:s1+$0xA7B0]  }
0xd8: {  	v8 =	vld [tilespmem:s1+$0xA7C0]  }
0xd9: {  	v12 =	vadd.f32 v12, v6;
	v6 =	vld [tilespmem:s1+$0xA7D0]  }
0xda: {  	s23 =	sadd.s32 $0x200, s23;
	v11 =	vadd.f32 v11, v7;
	v7 =	vld [tilespmem:s1+$0xA7E0]  }
0xdb: {  	[tilespmem:s1+$0xA780] =	vst v12;
	v5 =	vadd.f32 v5, v10;
	v63 =	vld [tilespmem:s1+$0xA7F0]  }
0xdc: {  	[tilespmem:s1+$0xA790] =	vst v11;
	v4 =	vadd.f32 v4, v9  }
0xdd: {  	[tilespmem:s1+$0xA7A0] =	vst v5;
	v3 =	vadd.f32 v3, v8  }
0xde: {  	[tilespmem:s1+$0xA7B0] =	vst v4;
	v2 =	vadd.f32 v2, v6  }
0xdf: {  	s14 =	sshll.u32 s0, $0xE;
	[tilespmem:s1+$0xA7C0] =	vst v3;
	v1 =	vadd.f32 v1, v7  }
0xe0: {  	s0 =	sadd.s32 $0x1, s0;
	s14 =	sadd.s32 s14, s9;
	[tilespmem:s1+$0xA7D0] =	vst v2;
	v0 =	vadd.f32 v0, v63  }
0xe1: {  	p0 =	sne.s32 s0, $0x5;
	s14 =	sshrl.u32 s14, $0x3;
	[tilespmem:s1+$0xA7E0] =	vst v1  }
.Ltmp2:
0xe2: {  	s31 =	sadd.s32 s5, s14;
	[tilespmem:s1+$0xA7F0] =	vst v0;
	(pc) =	sbr.rel @p0 .LBB2_4-.Ltmp2, $4  }
0xe3: {  	[hbm4b:s31+s4] =	stream.linear.scatter [tilespmem:s18], [sflag:$0x3], $0x4000, $0x38;
	[tilespmem:$0x12780] =	vst v63  }
0xe4: {  	_ =	swait.ge [sflag:s13], $0x4000  }
0xe5: {  	[sflag:s13] =	ssyncset.done $0x0  }
0xe6: {  	[sflag:s13] =	ssyncadd.s32 $0xFFFFC000  }
0xe7: {  	s22 =	sadd.s32 $0x1, s22  }
0xe8: {  	p0 =	sne.s32 s22, s10  }
.Ltmp3:
0xe9: {  	_ = 	snop;
	(pc) =	sbr.rel @p0 .LBB2_1-.Ltmp3, $1  }
0xea: {  	_ =	sdelay $0x3  }
0xeb: {  	_ =	sfence.sel $0x180000  }
0xec: {  	[bflag:$0x0] =	sbarrier.arrive $0xFFFF  }
0xed: {  	_ =	strace $0x9000004A  }
0xee: {  	s0 =	stileid.u32;
	[bflag:$0x2] =	sbarrier.arrive $0xFFFF  }
0xef: {  	p0 =	sne.s32 s0, $0x0;
	s0 =	rddreg [dreg:$0x4]  }
0xf0: {  	s0 =	sadd.s32 @!p0 $0x100000, s0  }
0xf1: {  	[sflag:s0] =	ssyncadd.tile.s32 @!p0 $0x1;
	_ =	shalt  }
.Lfunc_end2:
_tile_overlayer_lowered:
.L_overlay_start_2:
0xf2: {  	(tag) =	ssettag $0x2  }
0xf3: {  	s0 =	rddreg [dreg:$0x0];
	s2 =	stileid.u32  }
0xf4: {  	s1 =	rddreg [dreg:$0x1];
	p0 =	sne.s32 s2, $0x0  }
0xf5: {  	s3 =	rddreg [dreg:$0x2];
	[bflag:$0x3] =	sbarrier.arrive $0xFFFF;
	s2 =	simm.s32 @!p0 $0x1C03  }
0xf6: {  	[timem:s3], [sflag:s2] =	dma.local @!p0 [hbm:s0], s1  }
0xf7: {  	s0 =	simm.s32 @!p0 $0x3  }
0xf8: {  	_ =	swait.ge @!p0 [sflag:s0], s1  }
0xf9: {  	s1 =	ssub.s32 @!p0 $0x0, s1;
	[sflag:s0] =	ssyncset.done @!p0 $0x0  }
0xfa: {  	[sflag:s0] =	ssyncadd.s32 @!p0 s1  }
0xfb: {  	[bflag:$0x3] =	sbarrier.arrive $0xFFFF  }
0xfc: {  	_ =	shalt  }

</sc_bundles>
